<compile_context>
chip_gen: v7x
topology: tpu7x:2x2x1
jax: 0.10.2.dev20260603
libtpu: 0.0.44.dev20260713+nightly
codegen_flags: <defaults>
</compile_context>

<pallas_src>
import functools

import jax
import jax.numpy as jnp
from jax import lax
from jax.experimental import pallas as pl
from jax.experimental.pallas import tpu as pltpu
from jax.experimental.pallas import tpu_sc as plsc

N_CORES = 2
N_SUB = 16
NW = N_CORES * N_SUB
CHUNK = 128
D = 128
BR = 640


def _sc_mesh():
    return plsc.VectorSubcoreMesh(core_axis_name="c", subcore_axis_name="s")


def _make_deg_kernel(np_, cpw, tpn):
    @functools.partial(
        pl.kernel,
        out_type=jax.ShapeDtypeStruct((N_CORES, np_, 16), jnp.float32),
        mesh=_sc_mesh(),
        compiler_params=pltpu.CompilerParams(use_tc_tiling_on_sc=False),
        scratch_types=[
            pltpu.VMEM((cpw, CHUNK), jnp.int32),
            pltpu.VMEM((CHUNK, 16), jnp.float32),
            pltpu.VMEM((tpn, 16), jnp.float32),
            pltpu.VMEM_SHARED((np_, 16), jnp.float32),
            [pltpu.SemaphoreType.DMA for _ in range(4)],
        ],
    )
    def deg_kernel(dst_hbm, z_hbm, ones_hbm, out_hbm, idx_v, ones_v, io_v, deg_s,
                   sems):
        cid = lax.axis_index("c")
        sid = lax.axis_index("s")
        base = sid * tpn
        wid = sid * N_CORES + cid
        pltpu.sync_copy(z_hbm, io_v)
        pltpu.sync_copy(io_v, deg_s.at[pl.ds(base, tpn)])
        pltpu.sync_copy(ones_hbm, ones_v)
        pltpu.sync_copy(dst_hbm.at[wid], idx_v)
        plsc.subcore_barrier()

        def scatter(c, b):
            pltpu.async_copy(ones_v, deg_s.at[idx_v.at[c]], sems[b], add=True)

        def wait_scatter(c, b):
            pltpu.make_async_copy(ones_v, deg_s.at[idx_v.at[c]], sems[b]).wait()

        def body(j, carry):
            for b in range(4):
                c = j * 4 + b

                @pl.when(c >= 4)
                def _():
                    wait_scatter(c - 4, b)

                scatter(c, b)
            return carry

        lax.fori_loop(0, cpw // 4, body, 0)
        for c in range(cpw - 4, cpw):
            wait_scatter(c, c % 4)
        plsc.subcore_barrier()
        pltpu.sync_copy(deg_s.at[pl.ds(base, tpn)], io_v)
        pltpu.sync_copy(io_v, out_hbm.at[cid, pl.ds(base, tpn)])

    return deg_kernel


def _make_msg_kernel(np_, cpw, tpn, zr):
    DH = D // 2

    NBUF = 4
    assert cpw % NBUF == 0

    @functools.partial(
        pl.kernel,
        out_type=jax.ShapeDtypeStruct((N_CORES, np_, DH), jnp.float32),
        mesh=_sc_mesh(),
        compiler_params=pltpu.CompilerParams(use_tc_tiling_on_sc=False),
        scratch_types=[
            pltpu.VMEM((cpw, CHUNK), jnp.int32),
            pltpu.VMEM((cpw, CHUNK), jnp.int32),
            [pltpu.VMEM((CHUNK, DH), jnp.float32) for _ in range(NBUF)],
            pltpu.VMEM((zr, DH), jnp.float32),
            pltpu.VMEM_SHARED((np_, DH), jnp.float32),
            [pltpu.SemaphoreType.DMA for _ in range(NBUF)],
            [pltpu.SemaphoreType.DMA for _ in range(NBUF)],
        ],
    )
    def msg_kernel(src_hbm, dst_hbm, g_hbm, z_hbm, out_hbm,
                   src_v, dst_v, bufs, io_v, acc_s, gsems, ssems):
        cid = lax.axis_index("c")
        sid = lax.axis_index("s")
        base = sid * tpn
        pltpu.sync_copy(z_hbm, io_v)
        for r in range(tpn // zr):
            pltpu.sync_copy(io_v, acc_s.at[pl.ds(base + r * zr, zr)])
        pltpu.sync_copy(src_hbm.at[sid], src_v)
        pltpu.sync_copy(dst_hbm.at[sid], dst_v)
        plsc.subcore_barrier()

        def gather(c, b):
            return pltpu.async_copy(
                g_hbm.at[cid].at[src_v.at[c]], bufs[b], gsems[b])

        def scatter(c, b):
            return pltpu.async_copy(
                bufs[b], acc_s.at[dst_v.at[c]], ssems[b], add=True)

        def wait_gather(c, b):
            pltpu.make_async_copy(
                g_hbm.at[cid].at[src_v.at[c]], bufs[b], gsems[b]).wait()

        def wait_scatter(c, b):
            pltpu.make_async_copy(
                bufs[b], acc_s.at[dst_v.at[c]], ssems[b]).wait()

        gather(0, 0)
        gather(1, 1)

        def body(j, carry):
            for b in range(NBUF):
                c = j * NBUF + b
                wait_gather(c, b)
                scatter(c, b)
                bn = (b + 2) % NBUF

                @pl.when(c >= 2)
                def _():
                    wait_scatter(c - 2, bn)

                @pl.when(c + 2 < cpw)
                def _():
                    gather(c + 2, bn)
            return carry

        lax.fori_loop(0, cpw // NBUF, body, 0)
        wait_scatter(cpw - 2, (cpw - 2) % NBUF)
        wait_scatter(cpw - 1, (cpw - 1) % NBUF)
        plsc.subcore_barrier()
        for r in range(tpn // zr):
            pltpu.sync_copy(acc_s.at[pl.ds(base + r * zr, zr)], io_v)
            pltpu.sync_copy(io_v, out_hbm.at[cid, pl.ds(base + r * zr, zr)])

    return msg_kernel


def _matmul_body(x_ref, w_ref, d0_ref, d1_ref, g_ref):
    deg = d0_ref[:, 0:1] + d1_ref[:, 0:1] + 1.0
    dis = lax.rsqrt(deg)
    h = jnp.dot(x_ref[...], w_ref[...], preferred_element_type=jnp.float32)
    g = h * dis
    g_ref[0] = g[:, : D // 2]
    g_ref[1] = g[:, D // 2:]


def _final_body(g_ref, a_ref, d0_ref, d1_ref, b_ref, o_ref):
    deg = d0_ref[:, 0:1] + d1_ref[:, 0:1] + 1.0
    dis = lax.rsqrt(deg)
    acc = jnp.concatenate([a_ref[0], a_ref[1]], axis=1)
    g = jnp.concatenate([g_ref[0], g_ref[1]], axis=1)
    z = (g + acc) * dis + b_ref[0:1, :]
    m = jnp.max(z, axis=1, keepdims=True)
    e = jnp.exp(z - m)
    s = jnp.sum(e, axis=1, keepdims=True)
    o_ref[...] = z - m - jnp.log(s)


def kernel(x, edge_index, W, b):
    n = x.shape[0]
    e = edge_index.shape[1]

    tpn = -(-(n + 1) // (16 * BR)) * BR
    np_ = 16 * tpn

    epw_d = -(-e // (NW * CHUNK * 4)) * CHUNK * 4
    cpw_d = epw_d // CHUNK
    epw_m = -(-e // (N_SUB * CHUNK * 4)) * CHUNK * 4
    cpw_m = epw_m // CHUNK
    src = edge_index[0]
    dst = edge_index[1]
    pad_d = jnp.full((NW * epw_d - e,), n, dtype=jnp.int32)
    pad_m = jnp.full((N_SUB * epw_m - e,), n, dtype=jnp.int32)
    dst_d = jnp.concatenate([dst, pad_d]).reshape(NW, cpw_d, CHUNK)
    src3 = jnp.concatenate([src, pad_m]).reshape(N_SUB, cpw_m, CHUNK)
    dst3 = jnp.concatenate([dst, pad_m]).reshape(N_SUB, cpw_m, CHUNK)

    z16 = jnp.zeros((tpn, 16), jnp.float32)
    ones16 = jnp.ones((CHUNK, 16), jnp.float32)
    zr = 128
    zhalf = jnp.zeros((zr, D // 2), jnp.float32)

    deg_parts = _make_deg_kernel(np_, cpw_d, tpn)(dst_d, z16, ones16)
    deg0, deg1 = deg_parts[0], deg_parts[1]

    x_pad = jnp.pad(x, ((0, np_ - n), (0, 0)))
    grid = np_ // BR
    g2 = pl.pallas_call(
        _matmul_body,
        grid=(grid,),
        in_specs=[
            pl.BlockSpec((BR, D), lambda i: (i, 0)),
            pl.BlockSpec((D, D), lambda i: (0, 0)),
            pl.BlockSpec((BR, 16), lambda i: (i, 0)),
            pl.BlockSpec((BR, 16), lambda i: (i, 0)),
        ],
        out_specs=pl.BlockSpec((2, BR, D // 2), lambda i: (0, i, 0)),
        out_shape=jax.ShapeDtypeStruct((2, np_, D // 2), jnp.float32),
    )(x_pad, W, deg0, deg1)

    acc = _make_msg_kernel(np_, cpw_m, tpn, zr)(src3, dst3, g2, zhalf)

    b2 = jnp.broadcast_to(b.reshape(1, D), (8, D))
    out = pl.pallas_call(
        _final_body,
        grid=(grid,),
        in_specs=[
            pl.BlockSpec((2, BR, D // 2), lambda i: (0, i, 0)),
            pl.BlockSpec((2, BR, D // 2), lambda i: (0, i, 0)),
            pl.BlockSpec((BR, 16), lambda i: (i, 0)),
            pl.BlockSpec((BR, 16), lambda i: (i, 0)),
            pl.BlockSpec((8, D), lambda i: (0, 0)),
        ],
        out_specs=pl.BlockSpec((BR, D), lambda i: (i, 0)),
        out_shape=jax.ShapeDtypeStruct((np_, D), jnp.float32),
    )(g2, acc, deg0, deg1, b2)
    return out[:n]

# --- scband reference (transcript-rebuilt; emitter-appended) ---
"""Pipeline reference for scband-simple-gcn-16724602651053 (READ-ONLY COPY).

The authoritative reference and input builder live on the scoring server;
editing this copy changes nothing except your own understanding.
"""

import jax, jax.numpy as jnp
import numpy as np

N_NODES = 10000
N_EDGES = 320000
DIM_IN = 128
DIM_OUT = 128


def setup_inputs(seed: int = 0) -> dict:
    key = jax.random.key(seed)
    k1, k2, k3, k4 = jax.random.split(key, 4)
    x = jax.random.normal(k1, (N_NODES, DIM_IN), dtype=jnp.float32)
    edge_index = jax.random.randint(k2, (2, N_EDGES), 0, N_NODES, dtype=jnp.int32)
    # GCNConv learned parameters (glorot init for W, zeros for bias, like PyG)
    limit = float(np.sqrt(6.0 / (DIM_IN + DIM_OUT)))
    W = jax.random.uniform(k3, (DIM_IN, DIM_OUT), dtype=jnp.float32, minval=-limit, maxval=limit)
    b = jnp.zeros((DIM_OUT,), dtype=jnp.float32)
    return {"x": x, "edge_index": edge_index, "W": W, "b": b}


def reference(x, edge_index, W, b):
    # PyG GCNConv: add self-loops, symmetric normalization D^-1/2 (A+I) D^-1/2 X W + b
    N = x.shape[0]
    loops = jnp.arange(N, dtype=edge_index.dtype)
    src = jnp.concatenate([edge_index[0], loops])
    dst = jnp.concatenate([edge_index[1], loops])
    ones = jnp.ones(src.shape[0], dtype=x.dtype)
    deg = jax.ops.segment_sum(ones, dst, num_segments=N)
    deg_inv_sqrt = jnp.where(deg > 0, jax.lax.rsqrt(jnp.maximum(deg, 1e-12)), 0.0)
    norm = deg_inv_sqrt[src] * deg_inv_sqrt[dst]
    h = x @ W
    msg = h[src] * norm[:, None]
    out = jax.ops.segment_sum(msg, dst, num_segments=N)
    out = out + b
    return jax.nn.log_softmax(out, axis=1)

if __name__ == "__main__":
    import jax
    _d = setup_inputs()
    print(jax.jit(kernel)(*tuple(_d.values())))

</pallas_src>

<mosaic_0001>
#map = affine_map<(d0, d1) -> (0, 0, 0)>
#map1 = affine_map<(d0, d1) -> (0, 0)>
module attributes {stable_mosaic.version = 14 : i64} {
  func.func @deg_kernel(%arg0: i32, %arg1: i32, %arg2: memref<32x80x128xi32, #tpu.memory_space<hbm>>, %arg3: memref<640x16xf32, #tpu.memory_space<hbm>>, %arg4: memref<128x16xf32, #tpu.memory_space<hbm>>, %arg5: memref<2x10240x16xf32, #tpu.memory_space<hbm>>, %arg6: memref<80x128xi32, #tpu.memory_space<vmem>>, %arg7: memref<128x16xf32, #tpu.memory_space<vmem>>, %arg8: memref<640x16xf32, #tpu.memory_space<vmem>>, %arg9: memref<10240x16xf32, #tpu.memory_space<vmem_shared>>, %arg10: memref<!tpu.dma_semaphore, #tpu.memory_space<semaphore_mem>>, %arg11: memref<!tpu.dma_semaphore, #tpu.memory_space<semaphore_mem>>, %arg12: memref<!tpu.dma_semaphore, #tpu.memory_space<semaphore_mem>>, %arg13: memref<!tpu.dma_semaphore, #tpu.memory_space<semaphore_mem>>) attributes {dimension_semantics = [#tpu.dimension_semantics<core_parallel>, #tpu.dimension_semantics<subcore_parallel>], iteration_bounds = array<i64: 2, 16>, scalar_prefetch = 0 : i64, scratch_operands = 8 : i64, tpu.core_type = #tpu.core_type<sc_vector_subcore>, window_params = [{transform_indices = #map}, {transform_indices = #map1}, {transform_indices = #map1}, {transform_indices = #map}]} {
    %mul3A = arith.constant 640 : i32
    %mul3A_0 = arith.muli %arg1, %mul3A : i32
    %mul3A_1 = arith.constant 2 : i32
    %mul3A_2 = arith.muli %arg1, %mul3A_1 : i32
    %add3A = arith.addi %mul3A_2, %arg0 : i32
    "tpu.region"() ({
      %run_scoped3A = tpu.sem_alloc : memref<!tpu.dma_semaphore, #tpu.memory_space<semaphore_mem>>
      tpu.enqueue_dma source(%arg3 : memref<640x16xf32, #tpu.memory_space<hbm>>) target(%arg8 : memref<640x16xf32, #tpu.memory_space<vmem>>) target_semaphore(%run_scoped3A : memref<!tpu.dma_semaphore, #tpu.memory_space<semaphore_mem>>)
      tpu.wait_dma2 semaphore(%run_scoped3A : memref<!tpu.dma_semaphore, #tpu.memory_space<semaphore_mem>>) src(%arg3 : memref<640x16xf32, #tpu.memory_space<hbm>>) dst(%arg8 : memref<640x16xf32, #tpu.memory_space<vmem>>)
      tpu.yield
    }) : () -> ()
    "tpu.region"() ({
      %run_scoped3A = tpu.sem_alloc : memref<!tpu.dma_semaphore, #tpu.memory_space<semaphore_mem>>
      %dma_start3A = arith.constant 0 : i32
      %dma_start3A_36 = tpu.memref_slice %arg9[%mul3A_0, %dma_start3A] : memref<10240x16xf32, #tpu.memory_space<vmem_shared>> -> memref<640x16xf32, #tpu.memory_space<vmem_shared>>
      %dma_start3A_37 = arith.constant 0 : i32
      %dma_start3A_38 = tpu.memref_slice %arg9[%mul3A_0, %dma_start3A_37] : memref<10240x16xf32, #tpu.memory_space<vmem_shared>> -> memref<640x16xf32, #tpu.memory_space<vmem_shared>>
      tpu.enqueue_dma source(%arg8 : memref<640x16xf32, #tpu.memory_space<vmem>>) target(%dma_start3A_38 : memref<640x16xf32, #tpu.memory_space<vmem_shared>>) target_semaphore(%run_scoped3A : memref<!tpu.dma_semaphore, #tpu.memory_space<semaphore_mem>>)
      %dma_wait3A_39 = arith.constant 0 : i32
      %dma_wait3A_40 = tpu.memref_slice %arg9[%mul3A_0, %dma_wait3A_39] : memref<10240x16xf32, #tpu.memory_space<vmem_shared>> -> memref<640x16xf32, #tpu.memory_space<vmem_shared>>
      %dma_wait3A_41 = arith.constant 0 : i32
      %dma_wait3A_42 = tpu.memref_slice %arg9[%mul3A_0, %dma_wait3A_41] : memref<10240x16xf32, #tpu.memory_space<vmem_shared>> -> memref<640x16xf32, #tpu.memory_space<vmem_shared>>
      tpu.wait_dma2 semaphore(%run_scoped3A : memref<!tpu.dma_semaphore, #tpu.memory_space<semaphore_mem>>) src(%arg8 : memref<640x16xf32, #tpu.memory_space<vmem>>) dst(%dma_wait3A_42 : memref<640x16xf32, #tpu.memory_space<vmem_shared>>)
      tpu.yield
    }) : () -> ()
    "tpu.region"() ({
      %run_scoped3A = tpu.sem_alloc : memref<!tpu.dma_semaphore, #tpu.memory_space<semaphore_mem>>
      tpu.enqueue_dma source(%arg4 : memref<128x16xf32, #tpu.memory_space<hbm>>) target(%arg7 : memref<128x16xf32, #tpu.memory_space<vmem>>) target_semaphore(%run_scoped3A : memref<!tpu.dma_semaphore, #tpu.memory_space<semaphore_mem>>)
      tpu.wait_dma2 semaphore(%run_scoped3A : memref<!tpu.dma_semaphore, #tpu.memory_space<semaphore_mem>>) src(%arg4 : memref<128x16xf32, #tpu.memory_space<hbm>>) dst(%arg7 : memref<128x16xf32, #tpu.memory_space<vmem>>)
      tpu.yield
    }) : () -> ()
    "tpu.region"() ({
      %run_scoped3A = tpu.sem_alloc : memref<!tpu.dma_semaphore, #tpu.memory_space<semaphore_mem>>
      %dma_start3A = arith.constant 0 : i32
      %dma_start3A_36 = arith.constant 0 : i32
      %dma_start3A_37 = tpu.memref_slice %arg2[%add3A, %dma_start3A, %dma_start3A_36] : memref<32x80x128xi32, #tpu.memory_space<hbm>> -> memref<1x80x128xi32, #tpu.memory_space<hbm>>
      %dma_start3A_38 = tpu.memref_squeeze %dma_start3A_37 : memref<1x80x128xi32, #tpu.memory_space<hbm>> -> memref<80x128xi32, #tpu.memory_space<hbm>>
      %dma_start3A_39 = arith.constant 0 : i32
      %dma_start3A_40 = arith.constant 0 : i32
      %dma_start3A_41 = tpu.memref_slice %arg2[%add3A, %dma_start3A_39, %dma_start3A_40] : memref<32x80x128xi32, #tpu.memory_space<hbm>> -> memref<1x80x128xi32, #tpu.memory_space<hbm>>
      %dma_start3A_42 = tpu.memref_squeeze %dma_start3A_41 : memref<1x80x128xi32, #tpu.memory_space<hbm>> -> memref<80x128xi32, #tpu.memory_space<hbm>>
      tpu.enqueue_dma source(%dma_start3A_42 : memref<80x128xi32, #tpu.memory_space<hbm>>) target(%arg6 : memref<80x128xi32, #tpu.memory_space<vmem>>) target_semaphore(%run_scoped3A : memref<!tpu.dma_semaphore, #tpu.memory_space<semaphore_mem>>)
      %dma_wait3A_43 = arith.constant 0 : i32
      %dma_wait3A_44 = arith.constant 0 : i32
      %dma_wait3A_45 = tpu.memref_slice %arg2[%add3A, %dma_wait3A_43, %dma_wait3A_44] : memref<32x80x128xi32, #tpu.memory_space<hbm>> -> memref<1x80x128xi32, #tpu.memory_space<hbm>>
      %dma_wait3A_46 = tpu.memref_squeeze %dma_wait3A_45 : memref<1x80x128xi32, #tpu.memory_space<hbm>> -> memref<80x128xi32, #tpu.memory_space<hbm>>
      %dma_wait3A_47 = arith.constant 0 : i32
      %dma_wait3A_48 = arith.constant 0 : i32
      %dma_wait3A_49 = tpu.memref_slice %arg2[%add3A, %dma_wait3A_47, %dma_wait3A_48] : memref<32x80x128xi32, #tpu.memory_space<hbm>> -> memref<1x80x128xi32, #tpu.memory_space<hbm>>
      %dma_wait3A_50 = tpu.memref_squeeze %dma_wait3A_49 : memref<1x80x128xi32, #tpu.memory_space<hbm>> -> memref<80x128xi32, #tpu.memory_space<hbm>>
      tpu.wait_dma2 semaphore(%run_scoped3A : memref<!tpu.dma_semaphore, #tpu.memory_space<semaphore_mem>>) src(%dma_wait3A_50 : memref<80x128xi32, #tpu.memory_space<hbm>>) dst(%arg6 : memref<80x128xi32, #tpu.memory_space<vmem>>)
      tpu.yield
    }) : () -> ()
    %barrier3A = arith.constant 0 : index
    tpu.barrier barrier_id(%barrier3A)
    %scan3A = arith.constant 0 : i32
    %scan3A_3 = arith.constant 0 : i32
    %scan3A_4 = arith.constant 20 : i32
    %scan3A_5 = arith.addi %scan3A_3, %scan3A_4 : i32
    %scan3A_6 = arith.constant 1 : i32
    scf.for %scan3A_36 = %scan3A_3 to %scan3A_5 step %scan3A_6  : i32 {
      %mul3A_37 = arith.constant 4 : i32
      %mul3A_38 = arith.muli %scan3A_36, %mul3A_37 : i32
      %add3A_39 = arith.constant 0 : i32
      %add3A_40 = arith.addi %mul3A_38, %add3A_39 : i32
      %ge3A = arith.constant 4 : i32
      %ge3A_41 = arith.cmpi sge, %add3A_40, %ge3A : i32
      %convert_element_type3A = arith.extui %ge3A_41 : i1 to i32
      %cond3A = arith.constant 0 : i32
      %cond3A_42 = arith.cmpi ne, %convert_element_type3A, %cond3A : i32
      scf.if %cond3A_42 {
        %sub3A = arith.constant 4 : i32
        %sub3A_93 = arith.subi %add3A_40, %sub3A : i32
        %dma_wait3A_94 = arith.constant 0 : i32
        %dma_wait3A_95 = tpu.memref_slice %arg6[%sub3A_93, %dma_wait3A_94] : memref<80x128xi32, #tpu.memory_space<vmem>> -> memref<1x128xi32, #tpu.memory_space<vmem>>
        %dma_wait3A_96 = tpu.memref_squeeze %dma_wait3A_95 : memref<1x128xi32, #tpu.memory_space<vmem>> -> memref<128xi32, #tpu.memory_space<vmem>>
        %dma_wait3A_97 = arith.constant 0 : i32
        %dma_wait3A_98 = arith.constant 0 : i32
        %dma_wait3A_99 = tpu.memref_slice %arg9[%dma_wait3A_97, %dma_wait3A_98] : memref<10240x16xf32, #tpu.memory_space<vmem_shared>> -> memref<10240x16xf32, #tpu.memory_space<vmem_shared>>
        tpu.wait_indirect_dma semaphore(%arg10 : memref<!tpu.dma_semaphore, #tpu.memory_space<semaphore_mem>>) src(%arg7 : memref<128x16xf32, #tpu.memory_space<vmem>>) dst(%dma_wait3A_99 : memref<10240x16xf32, #tpu.memory_space<vmem_shared>>)
      } else {
      }
      %dma_start3A = arith.constant 0 : i32
      %dma_start3A_43 = tpu.memref_slice %arg6[%add3A_40, %dma_start3A] : memref<80x128xi32, #tpu.memory_space<vmem>> -> memref<1x128xi32, #tpu.memory_space<vmem>>
      %dma_start3A_44 = tpu.memref_squeeze %dma_start3A_43 : memref<1x128xi32, #tpu.memory_space<vmem>> -> memref<128xi32, #tpu.memory_space<vmem>>
      %dma_start3A_45 = arith.constant 0 : i32
      %dma_start3A_46 = arith.constant 0 : i32
      %dma_start3A_47 = tpu.memref_slice %arg9[%dma_start3A_45, %dma_start3A_46] : memref<10240x16xf32, #tpu.memory_space<vmem_shared>> -> memref<10240x16xf32, #tpu.memory_space<vmem_shared>>
      tpu.enqueue_indirect_dma source(%arg7 : memref<128x16xf32, #tpu.memory_space<vmem>>) target(%dma_start3A_47 : memref<10240x16xf32, #tpu.memory_space<vmem_shared>>) offsets(%dma_start3A_44 : memref<128xi32, #tpu.memory_space<vmem>>) semaphore(%arg10 : memref<!tpu.dma_semaphore, #tpu.memory_space<semaphore_mem>>) {add = true}
      %mul3A_48 = arith.constant 4 : i32
      %mul3A_49 = arith.muli %scan3A_36, %mul3A_48 : i32
      %add3A_50 = arith.constant 1 : i32
      %add3A_51 = arith.addi %mul3A_49, %add3A_50 : i32
      %ge3A_52 = arith.constant 4 : i32
      %ge3A_53 = arith.cmpi sge, %add3A_51, %ge3A_52 : i32
      %convert_element_type3A_54 = arith.extui %ge3A_53 : i1 to i32
      %cond3A_55 = arith.constant 0 : i32
      %cond3A_56 = arith.cmpi ne, %convert_element_type3A_54, %cond3A_55 : i32
      scf.if %cond3A_56 {
        %sub3A = arith.constant 4 : i32
        %sub3A_93 = arith.subi %add3A_51, %sub3A : i32
        %dma_wait3A_94 = arith.constant 0 : i32
        %dma_wait3A_95 = tpu.memref_slice %arg6[%sub3A_93, %dma_wait3A_94] : memref<80x128xi32, #tpu.memory_space<vmem>> -> memref<1x128xi32, #tpu.memory_space<vmem>>
        %dma_wait3A_96 = tpu.memref_squeeze %dma_wait3A_95 : memref<1x128xi32, #tpu.memory_space<vmem>> -> memref<128xi32, #tpu.memory_space<vmem>>
        %dma_wait3A_97 = arith.constant 0 : i32
        %dma_wait3A_98 = arith.constant 0 : i32
        %dma_wait3A_99 = tpu.memref_slice %arg9[%dma_wait3A_97, %dma_wait3A_98] : memref<10240x16xf32, #tpu.memory_space<vmem_shared>> -> memref<10240x16xf32, #tpu.memory_space<vmem_shared>>
        tpu.wait_indirect_dma semaphore(%arg11 : memref<!tpu.dma_semaphore, #tpu.memory_space<semaphore_mem>>) src(%arg7 : memref<128x16xf32, #tpu.memory_space<vmem>>) dst(%dma_wait3A_99 : memref<10240x16xf32, #tpu.memory_space<vmem_shared>>)
      } else {
      }
      %dma_start3A_57 = arith.constant 0 : i32
      %dma_start3A_58 = tpu.memref_slice %arg6[%add3A_51, %dma_start3A_57] : memref<80x128xi32, #tpu.memory_space<vmem>> -> memref<1x128xi32, #tpu.memory_space<vmem>>
      %dma_start3A_59 = tpu.memref_squeeze %dma_start3A_58 : memref<1x128xi32, #tpu.memory_space<vmem>> -> memref<128xi32, #tpu.memory_space<vmem>>
      %dma_start3A_60 = arith.constant 0 : i32
      %dma_start3A_61 = arith.constant 0 : i32
      %dma_start3A_62 = tpu.memref_slice %arg9[%dma_start3A_60, %dma_start3A_61] : memref<10240x16xf32, #tpu.memory_space<vmem_shared>> -> memref<10240x16xf32, #tpu.memory_space<vmem_shared>>
      tpu.enqueue_indirect_dma source(%arg7 : memref<128x16xf32, #tpu.memory_space<vmem>>) target(%dma_start3A_62 : memref<10240x16xf32, #tpu.memory_space<vmem_shared>>) offsets(%dma_start3A_59 : memref<128xi32, #tpu.memory_space<vmem>>) semaphore(%arg11 : memref<!tpu.dma_semaphore, #tpu.memory_space<semaphore_mem>>) {add = true}
      %mul3A_63 = arith.constant 4 : i32
      %mul3A_64 = arith.muli %scan3A_36, %mul3A_63 : i32
      %add3A_65 = arith.constant 2 : i32
      %add3A_66 = arith.addi %mul3A_64, %add3A_65 : i32
      %ge3A_67 = arith.constant 4 : i32
      %ge3A_68 = arith.cmpi sge, %add3A_66, %ge3A_67 : i32
      %convert_element_type3A_69 = arith.extui %ge3A_68 : i1 to i32
      %cond3A_70 = arith.constant 0 : i32
      %cond3A_71 = arith.cmpi ne, %convert_element_type3A_69, %cond3A_70 : i32
      scf.if %cond3A_71 {
        %sub3A = arith.constant 4 : i32
        %sub3A_93 = arith.subi %add3A_66, %sub3A : i32
        %dma_wait3A_94 = arith.constant 0 : i32
        %dma_wait3A_95 = tpu.memref_slice %arg6[%sub3A_93, %dma_wait3A_94] : memref<80x128xi32, #tpu.memory_space<vmem>> -> memref<1x128xi32, #tpu.memory_space<vmem>>
        %dma_wait3A_96 = tpu.memref_squeeze %dma_wait3A_95 : memref<1x128xi32, #tpu.memory_space<vmem>> -> memref<128xi32, #tpu.memory_space<vmem>>
        %dma_wait3A_97 = arith.constant 0 : i32
        %dma_wait3A_98 = arith.constant 0 : i32
        %dma_wait3A_99 = tpu.memref_slice %arg9[%dma_wait3A_97, %dma_wait3A_98] : memref<10240x16xf32, #tpu.memory_space<vmem_shared>> -> memref<10240x16xf32, #tpu.memory_space<vmem_shared>>
        tpu.wait_indirect_dma semaphore(%arg12 : memref<!tpu.dma_semaphore, #tpu.memory_space<semaphore_mem>>) src(%arg7 : memref<128x16xf32, #tpu.memory_space<vmem>>) dst(%dma_wait3A_99 : memref<10240x16xf32, #tpu.memory_space<vmem_shared>>)
      } else {
      }
      %dma_start3A_72 = arith.constant 0 : i32
      %dma_start3A_73 = tpu.memref_slice %arg6[%add3A_66, %dma_start3A_72] : memref<80x128xi32, #tpu.memory_space<vmem>> -> memref<1x128xi32, #tpu.memory_space<vmem>>
      %dma_start3A_74 = tpu.memref_squeeze %dma_start3A_73 : memref<1x128xi32, #tpu.memory_space<vmem>> -> memref<128xi32, #tpu.memory_space<vmem>>
      %dma_start3A_75 = arith.constant 0 : i32
      %dma_start3A_76 = arith.constant 0 : i32
      %dma_start3A_77 = tpu.memref_slice %arg9[%dma_start3A_75, %dma_start3A_76] : memref<10240x16xf32, #tpu.memory_space<vmem_shared>> -> memref<10240x16xf32, #tpu.memory_space<vmem_shared>>
      tpu.enqueue_indirect_dma source(%arg7 : memref<128x16xf32, #tpu.memory_space<vmem>>) target(%dma_start3A_77 : memref<10240x16xf32, #tpu.memory_space<vmem_shared>>) offsets(%dma_start3A_74 : memref<128xi32, #tpu.memory_space<vmem>>) semaphore(%arg12 : memref<!tpu.dma_semaphore, #tpu.memory_space<semaphore_mem>>) {add = true}
      %mul3A_78 = arith.constant 4 : i32
      %mul3A_79 = arith.muli %scan3A_36, %mul3A_78 : i32
      %add3A_80 = arith.constant 3 : i32
      %add3A_81 = arith.addi %mul3A_79, %add3A_80 : i32
      %ge3A_82 = arith.constant 4 : i32
      %ge3A_83 = arith.cmpi sge, %add3A_81, %ge3A_82 : i32
      %convert_element_type3A_84 = arith.extui %ge3A_83 : i1 to i32
      %cond3A_85 = arith.constant 0 : i32
      %cond3A_86 = arith.cmpi ne, %convert_element_type3A_84, %cond3A_85 : i32
      scf.if %cond3A_86 {
        %sub3A = arith.constant 4 : i32
        %sub3A_93 = arith.subi %add3A_81, %sub3A : i32
        %dma_wait3A_94 = arith.constant 0 : i32
        %dma_wait3A_95 = tpu.memref_slice %arg6[%sub3A_93, %dma_wait3A_94] : memref<80x128xi32, #tpu.memory_space<vmem>> -> memref<1x128xi32, #tpu.memory_space<vmem>>
        %dma_wait3A_96 = tpu.memref_squeeze %dma_wait3A_95 : memref<1x128xi32, #tpu.memory_space<vmem>> -> memref<128xi32, #tpu.memory_space<vmem>>
        %dma_wait3A_97 = arith.constant 0 : i32
        %dma_wait3A_98 = arith.constant 0 : i32
        %dma_wait3A_99 = tpu.memref_slice %arg9[%dma_wait3A_97, %dma_wait3A_98] : memref<10240x16xf32, #tpu.memory_space<vmem_shared>> -> memref<10240x16xf32, #tpu.memory_space<vmem_shared>>
        tpu.wait_indirect_dma semaphore(%arg13 : memref<!tpu.dma_semaphore, #tpu.memory_space<semaphore_mem>>) src(%arg7 : memref<128x16xf32, #tpu.memory_space<vmem>>) dst(%dma_wait3A_99 : memref<10240x16xf32, #tpu.memory_space<vmem_shared>>)
      } else {
      }
      %dma_start3A_87 = arith.constant 0 : i32
      %dma_start3A_88 = tpu.memref_slice %arg6[%add3A_81, %dma_start3A_87] : memref<80x128xi32, #tpu.memory_space<vmem>> -> memref<1x128xi32, #tpu.memory_space<vmem>>
      %dma_start3A_89 = tpu.memref_squeeze %dma_start3A_88 : memref<1x128xi32, #tpu.memory_space<vmem>> -> memref<128xi32, #tpu.memory_space<vmem>>
      %dma_start3A_90 = arith.constant 0 : i32
      %dma_start3A_91 = arith.constant 0 : i32
      %dma_start3A_92 = tpu.memref_slice %arg9[%dma_start3A_90, %dma_start3A_91] : memref<10240x16xf32, #tpu.memory_space<vmem_shared>> -> memref<10240x16xf32, #tpu.memory_space<vmem_shared>>
      tpu.enqueue_indirect_dma source(%arg7 : memref<128x16xf32, #tpu.memory_space<vmem>>) target(%dma_start3A_92 : memref<10240x16xf32, #tpu.memory_space<vmem_shared>>) offsets(%dma_start3A_89 : memref<128xi32, #tpu.memory_space<vmem>>) semaphore(%arg13 : memref<!tpu.dma_semaphore, #tpu.memory_space<semaphore_mem>>) {add = true}
    }
    %scan3A_7 = arith.constant 20 : i32
    %dma_wait3A = arith.constant 76 : i32
    %dma_wait3A_8 = arith.constant 0 : i32
    %dma_wait3A_9 = tpu.memref_slice %arg6[%dma_wait3A, %dma_wait3A_8] : memref<80x128xi32, #tpu.memory_space<vmem>> -> memref<1x128xi32, #tpu.memory_space<vmem>>
    %dma_wait3A_10 = tpu.memref_squeeze %dma_wait3A_9 : memref<1x128xi32, #tpu.memory_space<vmem>> -> memref<128xi32, #tpu.memory_space<vmem>>
    %dma_wait3A_11 = arith.constant 0 : i32
    %dma_wait3A_12 = arith.constant 0 : i32
    %dma_wait3A_13 = tpu.memref_slice %arg9[%dma_wait3A_11, %dma_wait3A_12] : memref<10240x16xf32, #tpu.memory_space<vmem_shared>> -> memref<10240x16xf32, #tpu.memory_space<vmem_shared>>
    tpu.wait_indirect_dma semaphore(%arg10 : memref<!tpu.dma_semaphore, #tpu.memory_space<semaphore_mem>>) src(%arg7 : memref<128x16xf32, #tpu.memory_space<vmem>>) dst(%dma_wait3A_13 : memref<10240x16xf32, #tpu.memory_space<vmem_shared>>)
    %dma_wait3A_14 = arith.constant 77 : i32
    %dma_wait3A_15 = arith.constant 0 : i32
    %dma_wait3A_16 = tpu.memref_slice %arg6[%dma_wait3A_14, %dma_wait3A_15] : memref<80x128xi32, #tpu.memory_space<vmem>> -> memref<1x128xi32, #tpu.memory_space<vmem>>
    %dma_wait3A_17 = tpu.memref_squeeze %dma_wait3A_16 : memref<1x128xi32, #tpu.memory_space<vmem>> -> memref<128xi32, #tpu.memory_space<vmem>>
    %dma_wait3A_18 = arith.constant 0 : i32
    %dma_wait3A_19 = arith.constant 0 : i32
    %dma_wait3A_20 = tpu.memref_slice %arg9[%dma_wait3A_18, %dma_wait3A_19] : memref<10240x16xf32, #tpu.memory_space<vmem_shared>> -> memref<10240x16xf32, #tpu.memory_space<vmem_shared>>
    tpu.wait_indirect_dma semaphore(%arg11 : memref<!tpu.dma_semaphore, #tpu.memory_space<semaphore_mem>>) src(%arg7 : memref<128x16xf32, #tpu.memory_space<vmem>>) dst(%dma_wait3A_20 : memref<10240x16xf32, #tpu.memory_space<vmem_shared>>)
    %dma_wait3A_21 = arith.constant 78 : i32
    %dma_wait3A_22 = arith.constant 0 : i32
    %dma_wait3A_23 = tpu.memref_slice %arg6[%dma_wait3A_21, %dma_wait3A_22] : memref<80x128xi32, #tpu.memory_space<vmem>> -> memref<1x128xi32, #tpu.memory_space<vmem>>
    %dma_wait3A_24 = tpu.memref_squeeze %dma_wait3A_23 : memref<1x128xi32, #tpu.memory_space<vmem>> -> memref<128xi32, #tpu.memory_space<vmem>>
    %dma_wait3A_25 = arith.constant 0 : i32
    %dma_wait3A_26 = arith.constant 0 : i32
    %dma_wait3A_27 = tpu.memref_slice %arg9[%dma_wait3A_25, %dma_wait3A_26] : memref<10240x16xf32, #tpu.memory_space<vmem_shared>> -> memref<10240x16xf32, #tpu.memory_space<vmem_shared>>
    tpu.wait_indirect_dma semaphore(%arg12 : memref<!tpu.dma_semaphore, #tpu.memory_space<semaphore_mem>>) src(%arg7 : memref<128x16xf32, #tpu.memory_space<vmem>>) dst(%dma_wait3A_27 : memref<10240x16xf32, #tpu.memory_space<vmem_shared>>)
    %dma_wait3A_28 = arith.constant 79 : i32
    %dma_wait3A_29 = arith.constant 0 : i32
    %dma_wait3A_30 = tpu.memref_slice %arg6[%dma_wait3A_28, %dma_wait3A_29] : memref<80x128xi32, #tpu.memory_space<vmem>> -> memref<1x128xi32, #tpu.memory_space<vmem>>
    %dma_wait3A_31 = tpu.memref_squeeze %dma_wait3A_30 : memref<1x128xi32, #tpu.memory_space<vmem>> -> memref<128xi32, #tpu.memory_space<vmem>>
    %dma_wait3A_32 = arith.constant 0 : i32
    %dma_wait3A_33 = arith.constant 0 : i32
    %dma_wait3A_34 = tpu.memref_slice %arg9[%dma_wait3A_32, %dma_wait3A_33] : memref<10240x16xf32, #tpu.memory_space<vmem_shared>> -> memref<10240x16xf32, #tpu.memory_space<vmem_shared>>
    tpu.wait_indirect_dma semaphore(%arg13 : memref<!tpu.dma_semaphore, #tpu.memory_space<semaphore_mem>>) src(%arg7 : memref<128x16xf32, #tpu.memory_space<vmem>>) dst(%dma_wait3A_34 : memref<10240x16xf32, #tpu.memory_space<vmem_shared>>)
    %barrier3A_35 = arith.constant 0 : index
    tpu.barrier barrier_id(%barrier3A_35)
    "tpu.region"() ({
      %run_scoped3A = tpu.sem_alloc : memref<!tpu.dma_semaphore, #tpu.memory_space<semaphore_mem>>
      %dma_start3A = arith.constant 0 : i32
      %dma_start3A_36 = tpu.memref_slice %arg9[%mul3A_0, %dma_start3A] : memref<10240x16xf32, #tpu.memory_space<vmem_shared>> -> memref<640x16xf32, #tpu.memory_space<vmem_shared>>
      %dma_start3A_37 = arith.constant 0 : i32
      %dma_start3A_38 = tpu.memref_slice %arg9[%mul3A_0, %dma_start3A_37] : memref<10240x16xf32, #tpu.memory_space<vmem_shared>> -> memref<640x16xf32, #tpu.memory_space<vmem_shared>>
      tpu.enqueue_dma source(%dma_start3A_38 : memref<640x16xf32, #tpu.memory_space<vmem_shared>>) target(%arg8 : memref<640x16xf32, #tpu.memory_space<vmem>>) target_semaphore(%run_scoped3A : memref<!tpu.dma_semaphore, #tpu.memory_space<semaphore_mem>>)
      %dma_wait3A_39 = arith.constant 0 : i32
      %dma_wait3A_40 = tpu.memref_slice %arg9[%mul3A_0, %dma_wait3A_39] : memref<10240x16xf32, #tpu.memory_space<vmem_shared>> -> memref<640x16xf32, #tpu.memory_space<vmem_shared>>
      %dma_wait3A_41 = arith.constant 0 : i32
      %dma_wait3A_42 = tpu.memref_slice %arg9[%mul3A_0, %dma_wait3A_41] : memref<10240x16xf32, #tpu.memory_space<vmem_shared>> -> memref<640x16xf32, #tpu.memory_space<vmem_shared>>
      tpu.wait_dma2 semaphore(%run_scoped3A : memref<!tpu.dma_semaphore, #tpu.memory_space<semaphore_mem>>) src(%dma_wait3A_42 : memref<640x16xf32, #tpu.memory_space<vmem_shared>>) dst(%arg8 : memref<640x16xf32, #tpu.memory_space<vmem>>)
      tpu.yield
    }) : () -> ()
    "tpu.region"() ({
      %run_scoped3A = tpu.sem_alloc : memref<!tpu.dma_semaphore, #tpu.memory_space<semaphore_mem>>
      %dma_start3A = arith.constant 0 : i32
      %dma_start3A_36 = tpu.memref_slice %arg5[%arg0, %mul3A_0, %dma_start3A] : memref<2x10240x16xf32, #tpu.memory_space<hbm>> -> memref<1x640x16xf32, #tpu.memory_space<hbm>>
      %dma_start3A_37 = tpu.memref_squeeze %dma_start3A_36 : memref<1x640x16xf32, #tpu.memory_space<hbm>> -> memref<640x16xf32, #tpu.memory_space<hbm>>
      %dma_start3A_38 = arith.constant 0 : i32
      %dma_start3A_39 = tpu.memref_slice %arg5[%arg0, %mul3A_0, %dma_start3A_38] : memref<2x10240x16xf32, #tpu.memory_space<hbm>> -> memref<1x640x16xf32, #tpu.memory_space<hbm>>
      %dma_start3A_40 = tpu.memref_squeeze %dma_start3A_39 : memref<1x640x16xf32, #tpu.memory_space<hbm>> -> memref<640x16xf32, #tpu.memory_space<hbm>>
      tpu.enqueue_dma source(%arg8 : memref<640x16xf32, #tpu.memory_space<vmem>>) target(%dma_start3A_40 : memref<640x16xf32, #tpu.memory_space<hbm>>) target_semaphore(%run_scoped3A : memref<!tpu.dma_semaphore, #tpu.memory_space<semaphore_mem>>)
      %dma_wait3A_41 = arith.constant 0 : i32
      %dma_wait3A_42 = tpu.memref_slice %arg5[%arg0, %mul3A_0, %dma_wait3A_41] : memref<2x10240x16xf32, #tpu.memory_space<hbm>> -> memref<1x640x16xf32, #tpu.memory_space<hbm>>
      %dma_wait3A_43 = tpu.memref_squeeze %dma_wait3A_42 : memref<1x640x16xf32, #tpu.memory_space<hbm>> -> memref<640x16xf32, #tpu.memory_space<hbm>>
      %dma_wait3A_44 = arith.constant 0 : i32
      %dma_wait3A_45 = tpu.memref_slice %arg5[%arg0, %mul3A_0, %dma_wait3A_44] : memref<2x10240x16xf32, #tpu.memory_space<hbm>> -> memref<1x640x16xf32, #tpu.memory_space<hbm>>
      %dma_wait3A_46 = tpu.memref_squeeze %dma_wait3A_45 : memref<1x640x16xf32, #tpu.memory_space<hbm>> -> memref<640x16xf32, #tpu.memory_space<hbm>>
      tpu.wait_dma2 semaphore(%run_scoped3A : memref<!tpu.dma_semaphore, #tpu.memory_space<semaphore_mem>>) src(%arg8 : memref<640x16xf32, #tpu.memory_space<vmem>>) dst(%dma_wait3A_46 : memref<640x16xf32, #tpu.memory_space<hbm>>)
      tpu.yield
    }) : () -> ()
    return
  }
}

#map = affine_map<(d0, d1) -> (0, 0, 0)>
#map1 = affine_map<(d0, d1) -> (0, 0)>
module attributes {stable_mosaic.version = 14 : i64} {
  func.func @msg_kernel(%arg0: i32, %arg1: i32, %arg2: memref<16x160x128xi32, #tpu.memory_space<hbm>>, %arg3: memref<16x160x128xi32, #tpu.memory_space<hbm>>, %arg4: memref<2x10240x64xf32, #tpu.memory_space<hbm>>, %arg5: memref<128x64xf32, #tpu.memory_space<hbm>>, %arg6: memref<2x10240x64xf32, #tpu.memory_space<hbm>>, %arg7: memref<160x128xi32, #tpu.memory_space<vmem>>, %arg8: memref<160x128xi32, #tpu.memory_space<vmem>>, %arg9: memref<128x64xf32, #tpu.memory_space<vmem>>, %arg10: memref<128x64xf32, #tpu.memory_space<vmem>>, %arg11: memref<128x64xf32, #tpu.memory_space<vmem>>, %arg12: memref<128x64xf32, #tpu.memory_space<vmem>>, %arg13: memref<128x64xf32, #tpu.memory_space<vmem>>, %arg14: memref<10240x64xf32, #tpu.memory_space<vmem_shared>>, %arg15: memref<!tpu.dma_semaphore, #tpu.memory_space<semaphore_mem>>, %arg16: memref<!tpu.dma_semaphore, #tpu.memory_space<semaphore_mem>>, %arg17: memref<!tpu.dma_semaphore, #tpu.memory_space<semaphore_mem>>, %arg18: memref<!tpu.dma_semaphore, #tpu.memory_space<semaphore_mem>>, %arg19: memref<!tpu.dma_semaphore, #tpu.memory_space<semaphore_mem>>, %arg20: memref<!tpu.dma_semaphore, #tpu.memory_space<semaphore_mem>>, %arg21: memref<!tpu.dma_semaphore, #tpu.memory_space<semaphore_mem>>, %arg22: memref<!tpu.dma_semaphore, #tpu.memory_space<semaphore_mem>>) attributes {dimension_semantics = [#tpu.dimension_semantics<core_parallel>, #tpu.dimension_semantics<subcore_parallel>], iteration_bounds = array<i64: 2, 16>, scalar_prefetch = 0 : i64, scratch_operands = 16 : i64, tpu.core_type = #tpu.core_type<sc_vector_subcore>, window_params = [{transform_indices = #map}, {transform_indices = #map}, {transform_indices = #map}, {transform_indices = #map1}, {transform_indices = #map}]} {
    %mul3A = arith.constant 640 : i32
    %mul3A_0 = arith.muli %arg1, %mul3A : i32
    "tpu.region"() ({
      %run_scoped3A = tpu.sem_alloc : memref<!tpu.dma_semaphore, #tpu.memory_space<semaphore_mem>>
      tpu.enqueue_dma source(%arg5 : memref<128x64xf32, #tpu.memory_space<hbm>>) target(%arg13 : memref<128x64xf32, #tpu.memory_space<vmem>>) target_semaphore(%run_scoped3A : memref<!tpu.dma_semaphore, #tpu.memory_space<semaphore_mem>>)
      tpu.wait_dma2 semaphore(%run_scoped3A : memref<!tpu.dma_semaphore, #tpu.memory_space<semaphore_mem>>) src(%arg5 : memref<128x64xf32, #tpu.memory_space<hbm>>) dst(%arg13 : memref<128x64xf32, #tpu.memory_space<vmem>>)
      tpu.yield
    }) : () -> ()
    %add3A = arith.constant 0 : i32
    %add3A_1 = arith.addi %mul3A_0, %add3A : i32
    "tpu.region"() ({
      %run_scoped3A = tpu.sem_alloc : memref<!tpu.dma_semaphore, #tpu.memory_space<semaphore_mem>>
      %dma_start3A_70 = arith.constant 0 : i32
      %dma_start3A_71 = tpu.memref_slice %arg14[%add3A_1, %dma_start3A_70] : memref<10240x64xf32, #tpu.memory_space<vmem_shared>> -> memref<128x64xf32, #tpu.memory_space<vmem_shared>>
      %dma_start3A_72 = arith.constant 0 : i32
      %dma_start3A_73 = tpu.memref_slice %arg14[%add3A_1, %dma_start3A_72] : memref<10240x64xf32, #tpu.memory_space<vmem_shared>> -> memref<128x64xf32, #tpu.memory_space<vmem_shared>>
      tpu.enqueue_dma source(%arg13 : memref<128x64xf32, #tpu.memory_space<vmem>>) target(%dma_start3A_73 : memref<128x64xf32, #tpu.memory_space<vmem_shared>>) target_semaphore(%run_scoped3A : memref<!tpu.dma_semaphore, #tpu.memory_space<semaphore_mem>>)
      %dma_wait3A_74 = arith.constant 0 : i32
      %dma_wait3A_75 = tpu.memref_slice %arg14[%add3A_1, %dma_wait3A_74] : memref<10240x64xf32, #tpu.memory_space<vmem_shared>> -> memref<128x64xf32, #tpu.memory_space<vmem_shared>>
      %dma_wait3A_76 = arith.constant 0 : i32
      %dma_wait3A_77 = tpu.memref_slice %arg14[%add3A_1, %dma_wait3A_76] : memref<10240x64xf32, #tpu.memory_space<vmem_shared>> -> memref<128x64xf32, #tpu.memory_space<vmem_shared>>
      tpu.wait_dma2 semaphore(%run_scoped3A : memref<!tpu.dma_semaphore, #tpu.memory_space<semaphore_mem>>) src(%arg13 : memref<128x64xf32, #tpu.memory_space<vmem>>) dst(%dma_wait3A_77 : memref<128x64xf32, #tpu.memory_space<vmem_shared>>)
      tpu.yield
    }) : () -> ()
    %add3A_2 = arith.constant 128 : i32
    %add3A_3 = arith.addi %mul3A_0, %add3A_2 : i32
    "tpu.region"() ({
      %run_scoped3A = tpu.sem_alloc : memref<!tpu.dma_semaphore, #tpu.memory_space<semaphore_mem>>
      %dma_start3A_70 = arith.constant 0 : i32
      %dma_start3A_71 = tpu.memref_slice %arg14[%add3A_3, %dma_start3A_70] : memref<10240x64xf32, #tpu.memory_space<vmem_shared>> -> memref<128x64xf32, #tpu.memory_space<vmem_shared>>
      %dma_start3A_72 = arith.constant 0 : i32
      %dma_start3A_73 = tpu.memref_slice %arg14[%add3A_3, %dma_start3A_72] : memref<10240x64xf32, #tpu.memory_space<vmem_shared>> -> memref<128x64xf32, #tpu.memory_space<vmem_shared>>
      tpu.enqueue_dma source(%arg13 : memref<128x64xf32, #tpu.memory_space<vmem>>) target(%dma_start3A_73 : memref<128x64xf32, #tpu.memory_space<vmem_shared>>) target_semaphore(%run_scoped3A : memref<!tpu.dma_semaphore, #tpu.memory_space<semaphore_mem>>)
      %dma_wait3A_74 = arith.constant 0 : i32
      %dma_wait3A_75 = tpu.memref_slice %arg14[%add3A_3, %dma_wait3A_74] : memref<10240x64xf32, #tpu.memory_space<vmem_shared>> -> memref<128x64xf32, #tpu.memory_space<vmem_shared>>
      %dma_wait3A_76 = arith.constant 0 : i32
      %dma_wait3A_77 = tpu.memref_slice %arg14[%add3A_3, %dma_wait3A_76] : memref<10240x64xf32, #tpu.memory_space<vmem_shared>> -> memref<128x64xf32, #tpu.memory_space<vmem_shared>>
      tpu.wait_dma2 semaphore(%run_scoped3A : memref<!tpu.dma_semaphore, #tpu.memory_space<semaphore_mem>>) src(%arg13 : memref<128x64xf32, #tpu.memory_space<vmem>>) dst(%dma_wait3A_77 : memref<128x64xf32, #tpu.memory_space<vmem_shared>>)
      tpu.yield
    }) : () -> ()
    %add3A_4 = arith.constant 256 : i32
    %add3A_5 = arith.addi %mul3A_0, %add3A_4 : i32
    "tpu.region"() ({
      %run_scoped3A = tpu.sem_alloc : memref<!tpu.dma_semaphore, #tpu.memory_space<semaphore_mem>>
      %dma_start3A_70 = arith.constant 0 : i32
      %dma_start3A_71 = tpu.memref_slice %arg14[%add3A_5, %dma_start3A_70] : memref<10240x64xf32, #tpu.memory_space<vmem_shared>> -> memref<128x64xf32, #tpu.memory_space<vmem_shared>>
      %dma_start3A_72 = arith.constant 0 : i32
      %dma_start3A_73 = tpu.memref_slice %arg14[%add3A_5, %dma_start3A_72] : memref<10240x64xf32, #tpu.memory_space<vmem_shared>> -> memref<128x64xf32, #tpu.memory_space<vmem_shared>>
      tpu.enqueue_dma source(%arg13 : memref<128x64xf32, #tpu.memory_space<vmem>>) target(%dma_start3A_73 : memref<128x64xf32, #tpu.memory_space<vmem_shared>>) target_semaphore(%run_scoped3A : memref<!tpu.dma_semaphore, #tpu.memory_space<semaphore_mem>>)
      %dma_wait3A_74 = arith.constant 0 : i32
      %dma_wait3A_75 = tpu.memref_slice %arg14[%add3A_5, %dma_wait3A_74] : memref<10240x64xf32, #tpu.memory_space<vmem_shared>> -> memref<128x64xf32, #tpu.memory_space<vmem_shared>>
      %dma_wait3A_76 = arith.constant 0 : i32
      %dma_wait3A_77 = tpu.memref_slice %arg14[%add3A_5, %dma_wait3A_76] : memref<10240x64xf32, #tpu.memory_space<vmem_shared>> -> memref<128x64xf32, #tpu.memory_space<vmem_shared>>
      tpu.wait_dma2 semaphore(%run_scoped3A : memref<!tpu.dma_semaphore, #tpu.memory_space<semaphore_mem>>) src(%arg13 : memref<128x64xf32, #tpu.memory_space<vmem>>) dst(%dma_wait3A_77 : memref<128x64xf32, #tpu.memory_space<vmem_shared>>)
      tpu.yield
    }) : () -> ()
    %add3A_6 = arith.constant 384 : i32
    %add3A_7 = arith.addi %mul3A_0, %add3A_6 : i32
    "tpu.region"() ({
      %run_scoped3A = tpu.sem_alloc : memref<!tpu.dma_semaphore, #tpu.memory_space<semaphore_mem>>
      %dma_start3A_70 = arith.constant 0 : i32
      %dma_start3A_71 = tpu.memref_slice %arg14[%add3A_7, %dma_start3A_70] : memref<10240x64xf32, #tpu.memory_space<vmem_shared>> -> memref<128x64xf32, #tpu.memory_space<vmem_shared>>
      %dma_start3A_72 = arith.constant 0 : i32
      %dma_start3A_73 = tpu.memref_slice %arg14[%add3A_7, %dma_start3A_72] : memref<10240x64xf32, #tpu.memory_space<vmem_shared>> -> memref<128x64xf32, #tpu.memory_space<vmem_shared>>
      tpu.enqueue_dma source(%arg13 : memref<128x64xf32, #tpu.memory_space<vmem>>) target(%dma_start3A_73 : memref<128x64xf32, #tpu.memory_space<vmem_shared>>) target_semaphore(%run_scoped3A : memref<!tpu.dma_semaphore, #tpu.memory_space<semaphore_mem>>)
      %dma_wait3A_74 = arith.constant 0 : i32
      %dma_wait3A_75 = tpu.memref_slice %arg14[%add3A_7, %dma_wait3A_74] : memref<10240x64xf32, #tpu.memory_space<vmem_shared>> -> memref<128x64xf32, #tpu.memory_space<vmem_shared>>
      %dma_wait3A_76 = arith.constant 0 : i32
      %dma_wait3A_77 = tpu.memref_slice %arg14[%add3A_7, %dma_wait3A_76] : memref<10240x64xf32, #tpu.memory_space<vmem_shared>> -> memref<128x64xf32, #tpu.memory_space<vmem_shared>>
      tpu.wait_dma2 semaphore(%run_scoped3A : memref<!tpu.dma_semaphore, #tpu.memory_space<semaphore_mem>>) src(%arg13 : memref<128x64xf32, #tpu.memory_space<vmem>>) dst(%dma_wait3A_77 : memref<128x64xf32, #tpu.memory_space<vmem_shared>>)
      tpu.yield
    }) : () -> ()
    %add3A_8 = arith.constant 512 : i32
    %add3A_9 = arith.addi %mul3A_0, %add3A_8 : i32
    "tpu.region"() ({
      %run_scoped3A = tpu.sem_alloc : memref<!tpu.dma_semaphore, #tpu.memory_space<semaphore_mem>>
      %dma_start3A_70 = arith.constant 0 : i32
      %dma_start3A_71 = tpu.memref_slice %arg14[%add3A_9, %dma_start3A_70] : memref<10240x64xf32, #tpu.memory_space<vmem_shared>> -> memref<128x64xf32, #tpu.memory_space<vmem_shared>>
      %dma_start3A_72 = arith.constant 0 : i32
      %dma_start3A_73 = tpu.memref_slice %arg14[%add3A_9, %dma_start3A_72] : memref<10240x64xf32, #tpu.memory_space<vmem_shared>> -> memref<128x64xf32, #tpu.memory_space<vmem_shared>>
      tpu.enqueue_dma source(%arg13 : memref<128x64xf32, #tpu.memory_space<vmem>>) target(%dma_start3A_73 : memref<128x64xf32, #tpu.memory_space<vmem_shared>>) target_semaphore(%run_scoped3A : memref<!tpu.dma_semaphore, #tpu.memory_space<semaphore_mem>>)
      %dma_wait3A_74 = arith.constant 0 : i32
      %dma_wait3A_75 = tpu.memref_slice %arg14[%add3A_9, %dma_wait3A_74] : memref<10240x64xf32, #tpu.memory_space<vmem_shared>> -> memref<128x64xf32, #tpu.memory_space<vmem_shared>>
      %dma_wait3A_76 = arith.constant 0 : i32
      %dma_wait3A_77 = tpu.memref_slice %arg14[%add3A_9, %dma_wait3A_76] : memref<10240x64xf32, #tpu.memory_space<vmem_shared>> -> memref<128x64xf32, #tpu.memory_space<vmem_shared>>
      tpu.wait_dma2 semaphore(%run_scoped3A : memref<!tpu.dma_semaphore, #tpu.memory_space<semaphore_mem>>) src(%arg13 : memref<128x64xf32, #tpu.memory_space<vmem>>) dst(%dma_wait3A_77 : memref<128x64xf32, #tpu.memory_space<vmem_shared>>)
      tpu.yield
    }) : () -> ()
    "tpu.region"() ({
      %run_scoped3A = tpu.sem_alloc : memref<!tpu.dma_semaphore, #tpu.memory_space<semaphore_mem>>
      %dma_start3A_70 = arith.constant 0 : i32
      %dma_start3A_71 = arith.constant 0 : i32
      %dma_start3A_72 = tpu.memref_slice %arg2[%arg1, %dma_start3A_70, %dma_start3A_71] : memref<16x160x128xi32, #tpu.memory_space<hbm>> -> memref<1x160x128xi32, #tpu.memory_space<hbm>>
      %dma_start3A_73 = tpu.memref_squeeze %dma_start3A_72 : memref<1x160x128xi32, #tpu.memory_space<hbm>> -> memref<160x128xi32, #tpu.memory_space<hbm>>
      %dma_start3A_74 = arith.constant 0 : i32
      %dma_start3A_75 = arith.constant 0 : i32
      %dma_start3A_76 = tpu.memref_slice %arg2[%arg1, %dma_start3A_74, %dma_start3A_75] : memref<16x160x128xi32, #tpu.memory_space<hbm>> -> memref<1x160x128xi32, #tpu.memory_space<hbm>>
      %dma_start3A_77 = tpu.memref_squeeze %dma_start3A_76 : memref<1x160x128xi32, #tpu.memory_space<hbm>> -> memref<160x128xi32, #tpu.memory_space<hbm>>
      tpu.enqueue_dma source(%dma_start3A_77 : memref<160x128xi32, #tpu.memory_space<hbm>>) target(%arg7 : memref<160x128xi32, #tpu.memory_space<vmem>>) target_semaphore(%run_scoped3A : memref<!tpu.dma_semaphore, #tpu.memory_space<semaphore_mem>>)
      %dma_wait3A_78 = arith.constant 0 : i32
      %dma_wait3A_79 = arith.constant 0 : i32
      %dma_wait3A_80 = tpu.memref_slice %arg2[%arg1, %dma_wait3A_78, %dma_wait3A_79] : memref<16x160x128xi32, #tpu.memory_space<hbm>> -> memref<1x160x128xi32, #tpu.memory_space<hbm>>
      %dma_wait3A_81 = tpu.memref_squeeze %dma_wait3A_80 : memref<1x160x128xi32, #tpu.memory_space<hbm>> -> memref<160x128xi32, #tpu.memory_space<hbm>>
      %dma_wait3A_82 = arith.constant 0 : i32
      %dma_wait3A_83 = arith.constant 0 : i32
      %dma_wait3A_84 = tpu.memref_slice %arg2[%arg1, %dma_wait3A_82, %dma_wait3A_83] : memref<16x160x128xi32, #tpu.memory_space<hbm>> -> memref<1x160x128xi32, #tpu.memory_space<hbm>>
      %dma_wait3A_85 = tpu.memref_squeeze %dma_wait3A_84 : memref<1x160x128xi32, #tpu.memory_space<hbm>> -> memref<160x128xi32, #tpu.memory_space<hbm>>
      tpu.wait_dma2 semaphore(%run_scoped3A : memref<!tpu.dma_semaphore, #tpu.memory_space<semaphore_mem>>) src(%dma_wait3A_85 : memref<160x128xi32, #tpu.memory_space<hbm>>) dst(%arg7 : memref<160x128xi32, #tpu.memory_space<vmem>>)
      tpu.yield
    }) : () -> ()
    "tpu.region"() ({
      %run_scoped3A = tpu.sem_alloc : memref<!tpu.dma_semaphore, #tpu.memory_space<semaphore_mem>>
      %dma_start3A_70 = arith.constant 0 : i32
      %dma_start3A_71 = arith.constant 0 : i32
      %dma_start3A_72 = tpu.memref_slice %arg3[%arg1, %dma_start3A_70, %dma_start3A_71] : memref<16x160x128xi32, #tpu.memory_space<hbm>> -> memref<1x160x128xi32, #tpu.memory_space<hbm>>
      %dma_start3A_73 = tpu.memref_squeeze %dma_start3A_72 : memref<1x160x128xi32, #tpu.memory_space<hbm>> -> memref<160x128xi32, #tpu.memory_space<hbm>>
      %dma_start3A_74 = arith.constant 0 : i32
      %dma_start3A_75 = arith.constant 0 : i32
      %dma_start3A_76 = tpu.memref_slice %arg3[%arg1, %dma_start3A_74, %dma_start3A_75] : memref<16x160x128xi32, #tpu.memory_space<hbm>> -> memref<1x160x128xi32, #tpu.memory_space<hbm>>
      %dma_start3A_77 = tpu.memref_squeeze %dma_start3A_76 : memref<1x160x128xi32, #tpu.memory_space<hbm>> -> memref<160x128xi32, #tpu.memory_space<hbm>>
      tpu.enqueue_dma source(%dma_start3A_77 : memref<160x128xi32, #tpu.memory_space<hbm>>) target(%arg8 : memref<160x128xi32, #tpu.memory_space<vmem>>) target_semaphore(%run_scoped3A : memref<!tpu.dma_semaphore, #tpu.memory_space<semaphore_mem>>)
      %dma_wait3A_78 = arith.constant 0 : i32
      %dma_wait3A_79 = arith.constant 0 : i32
      %dma_wait3A_80 = tpu.memref_slice %arg3[%arg1, %dma_wait3A_78, %dma_wait3A_79] : memref<16x160x128xi32, #tpu.memory_space<hbm>> -> memref<1x160x128xi32, #tpu.memory_space<hbm>>
      %dma_wait3A_81 = tpu.memref_squeeze %dma_wait3A_80 : memref<1x160x128xi32, #tpu.memory_space<hbm>> -> memref<160x128xi32, #tpu.memory_space<hbm>>
      %dma_wait3A_82 = arith.constant 0 : i32
      %dma_wait3A_83 = arith.constant 0 : i32
      %dma_wait3A_84 = tpu.memref_slice %arg3[%arg1, %dma_wait3A_82, %dma_wait3A_83] : memref<16x160x128xi32, #tpu.memory_space<hbm>> -> memref<1x160x128xi32, #tpu.memory_space<hbm>>
      %dma_wait3A_85 = tpu.memref_squeeze %dma_wait3A_84 : memref<1x160x128xi32, #tpu.memory_space<hbm>> -> memref<160x128xi32, #tpu.memory_space<hbm>>
      tpu.wait_dma2 semaphore(%run_scoped3A : memref<!tpu.dma_semaphore, #tpu.memory_space<semaphore_mem>>) src(%dma_wait3A_85 : memref<160x128xi32, #tpu.memory_space<hbm>>) dst(%arg8 : memref<160x128xi32, #tpu.memory_space<vmem>>)
      tpu.yield
    }) : () -> ()
    %barrier3A = arith.constant 0 : index
    tpu.barrier barrier_id(%barrier3A)
    %dma_start3A = arith.constant 0 : i32
    %dma_start3A_10 = arith.constant 0 : i32
    %dma_start3A_11 = tpu.memref_slice %arg7[%dma_start3A, %dma_start3A_10] : memref<160x128xi32, #tpu.memory_space<vmem>> -> memref<1x128xi32, #tpu.memory_space<vmem>>
    %dma_start3A_12 = tpu.memref_squeeze %dma_start3A_11 : memref<1x128xi32, #tpu.memory_space<vmem>> -> memref<128xi32, #tpu.memory_space<vmem>>
    %dma_start3A_13 = arith.constant 0 : i32
    %dma_start3A_14 = arith.constant 0 : i32
    %dma_start3A_15 = tpu.memref_slice %arg4[%arg0, %dma_start3A_13, %dma_start3A_14] : memref<2x10240x64xf32, #tpu.memory_space<hbm>> -> memref<1x10240x64xf32, #tpu.memory_space<hbm>>
    %dma_start3A_16 = tpu.memref_squeeze %dma_start3A_15 : memref<1x10240x64xf32, #tpu.memory_space<hbm>> -> memref<10240x64xf32, #tpu.memory_space<hbm>>
    %dma_start3A_17 = arith.constant 0 : i32
    %dma_start3A_18 = arith.constant 0 : i32
    %dma_start3A_19 = tpu.memref_slice %dma_start3A_16[%dma_start3A_17, %dma_start3A_18] : memref<10240x64xf32, #tpu.memory_space<hbm>> -> memref<10240x64xf32, #tpu.memory_space<hbm>>
    tpu.enqueue_indirect_dma source(%dma_start3A_19 : memref<10240x64xf32, #tpu.memory_space<hbm>>) target(%arg9 : memref<128x64xf32, #tpu.memory_space<vmem>>) offsets(%dma_start3A_12 : memref<128xi32, #tpu.memory_space<vmem>>) semaphore(%arg15 : memref<!tpu.dma_semaphore, #tpu.memory_space<semaphore_mem>>)
    %dma_start3A_20 = arith.constant 1 : i32
    %dma_start3A_21 = arith.constant 0 : i32
    %dma_start3A_22 = tpu.memref_slice %arg7[%dma_start3A_20, %dma_start3A_21] : memref<160x128xi32, #tpu.memory_space<vmem>> -> memref<1x128xi32, #tpu.memory_space<vmem>>
    %dma_start3A_23 = tpu.memref_squeeze %dma_start3A_22 : memref<1x128xi32, #tpu.memory_space<vmem>> -> memref<128xi32, #tpu.memory_space<vmem>>
    %dma_start3A_24 = arith.constant 0 : i32
    %dma_start3A_25 = arith.constant 0 : i32
    %dma_start3A_26 = tpu.memref_slice %arg4[%arg0, %dma_start3A_24, %dma_start3A_25] : memref<2x10240x64xf32, #tpu.memory_space<hbm>> -> memref<1x10240x64xf32, #tpu.memory_space<hbm>>
    %dma_start3A_27 = tpu.memref_squeeze %dma_start3A_26 : memref<1x10240x64xf32, #tpu.memory_space<hbm>> -> memref<10240x64xf32, #tpu.memory_space<hbm>>
    %dma_start3A_28 = arith.constant 0 : i32
    %dma_start3A_29 = arith.constant 0 : i32
    %dma_start3A_30 = tpu.memref_slice %dma_start3A_27[%dma_start3A_28, %dma_start3A_29] : memref<10240x64xf32, #tpu.memory_space<hbm>> -> memref<10240x64xf32, #tpu.memory_space<hbm>>
    tpu.enqueue_indirect_dma source(%dma_start3A_30 : memref<10240x64xf32, #tpu.memory_space<hbm>>) target(%arg10 : memref<128x64xf32, #tpu.memory_space<vmem>>) offsets(%dma_start3A_23 : memref<128xi32, #tpu.memory_space<vmem>>) semaphore(%arg16 : memref<!tpu.dma_semaphore, #tpu.memory_space<semaphore_mem>>)
    %scan3A = arith.constant 0 : i32
    %scan3A_31 = arith.constant 0 : i32
    %scan3A_32 = arith.constant 40 : i32
    %scan3A_33 = arith.addi %scan3A_31, %scan3A_32 : i32
    %scan3A_34 = arith.constant 1 : i32
    scf.for %scan3A_70 = %scan3A_31 to %scan3A_33 step %scan3A_34  : i32 {
      %mul3A_71 = arith.constant 4 : i32
      %mul3A_72 = arith.muli %scan3A_70, %mul3A_71 : i32
      %add3A_73 = arith.constant 0 : i32
      %add3A_74 = arith.addi %mul3A_72, %add3A_73 : i32
      %dma_wait3A_75 = arith.constant 0 : i32
      %dma_wait3A_76 = tpu.memref_slice %arg7[%add3A_74, %dma_wait3A_75] : memref<160x128xi32, #tpu.memory_space<vmem>> -> memref<1x128xi32, #tpu.memory_space<vmem>>
      %dma_wait3A_77 = tpu.memref_squeeze %dma_wait3A_76 : memref<1x128xi32, #tpu.memory_space<vmem>> -> memref<128xi32, #tpu.memory_space<vmem>>
      %dma_wait3A_78 = arith.constant 0 : i32
      %dma_wait3A_79 = arith.constant 0 : i32
      %dma_wait3A_80 = tpu.memref_slice %arg4[%arg0, %dma_wait3A_78, %dma_wait3A_79] : memref<2x10240x64xf32, #tpu.memory_space<hbm>> -> memref<1x10240x64xf32, #tpu.memory_space<hbm>>
      %dma_wait3A_81 = tpu.memref_squeeze %dma_wait3A_80 : memref<1x10240x64xf32, #tpu.memory_space<hbm>> -> memref<10240x64xf32, #tpu.memory_space<hbm>>
      %dma_wait3A_82 = arith.constant 0 : i32
      %dma_wait3A_83 = arith.constant 0 : i32
      %dma_wait3A_84 = tpu.memref_slice %dma_wait3A_81[%dma_wait3A_82, %dma_wait3A_83] : memref<10240x64xf32, #tpu.memory_space<hbm>> -> memref<10240x64xf32, #tpu.memory_space<hbm>>
      tpu.wait_indirect_dma semaphore(%arg15 : memref<!tpu.dma_semaphore, #tpu.memory_space<semaphore_mem>>) src(%dma_wait3A_84 : memref<10240x64xf32, #tpu.memory_space<hbm>>) dst(%arg9 : memref<128x64xf32, #tpu.memory_space<vmem>>)
      %dma_start3A_85 = arith.constant 0 : i32
      %dma_start3A_86 = tpu.memref_slice %arg8[%add3A_74, %dma_start3A_85] : memref<160x128xi32, #tpu.memory_space<vmem>> -> memref<1x128xi32, #tpu.memory_space<vmem>>
      %dma_start3A_87 = tpu.memref_squeeze %dma_start3A_86 : memref<1x128xi32, #tpu.memory_space<vmem>> -> memref<128xi32, #tpu.memory_space<vmem>>
      %dma_start3A_88 = arith.constant 0 : i32
      %dma_start3A_89 = arith.constant 0 : i32
      %dma_start3A_90 = tpu.memref_slice %arg14[%dma_start3A_88, %dma_start3A_89] : memref<10240x64xf32, #tpu.memory_space<vmem_shared>> -> memref<10240x64xf32, #tpu.memory_space<vmem_shared>>
      tpu.enqueue_indirect_dma source(%arg9 : memref<128x64xf32, #tpu.memory_space<vmem>>) target(%dma_start3A_90 : memref<10240x64xf32, #tpu.memory_space<vmem_shared>>) offsets(%dma_start3A_87 : memref<128xi32, #tpu.memory_space<vmem>>) semaphore(%arg19 : memref<!tpu.dma_semaphore, #tpu.memory_space<semaphore_mem>>) {add = true}
      %ge3A = arith.constant 2 : i32
      %ge3A_91 = arith.cmpi sge, %add3A_74, %ge3A : i32
      %convert_element_type3A = arith.extui %ge3A_91 : i1 to i32
      %cond3A = arith.constant 0 : i32
      %cond3A_92 = arith.cmpi ne, %convert_element_type3A, %cond3A : i32
      scf.if %cond3A_92 {
        %sub3A = arith.constant 2 : i32
        %sub3A_195 = arith.subi %add3A_74, %sub3A : i32
        %dma_wait3A_196 = arith.constant 0 : i32
        %dma_wait3A_197 = tpu.memref_slice %arg8[%sub3A_195, %dma_wait3A_196] : memref<160x128xi32, #tpu.memory_space<vmem>> -> memref<1x128xi32, #tpu.memory_space<vmem>>
        %dma_wait3A_198 = tpu.memref_squeeze %dma_wait3A_197 : memref<1x128xi32, #tpu.memory_space<vmem>> -> memref<128xi32, #tpu.memory_space<vmem>>
        %dma_wait3A_199 = arith.constant 0 : i32
        %dma_wait3A_200 = arith.constant 0 : i32
        %dma_wait3A_201 = tpu.memref_slice %arg14[%dma_wait3A_199, %dma_wait3A_200] : memref<10240x64xf32, #tpu.memory_space<vmem_shared>> -> memref<10240x64xf32, #tpu.memory_space<vmem_shared>>
        tpu.wait_indirect_dma semaphore(%arg21 : memref<!tpu.dma_semaphore, #tpu.memory_space<semaphore_mem>>) src(%arg11 : memref<128x64xf32, #tpu.memory_space<vmem>>) dst(%dma_wait3A_201 : memref<10240x64xf32, #tpu.memory_space<vmem_shared>>)
      } else {
      }
      %add3A_93 = arith.constant 2 : i32
      %add3A_94 = arith.addi %add3A_74, %add3A_93 : i32
      %lt3A = arith.constant 160 : i32
      %lt3A_95 = arith.cmpi slt, %add3A_94, %lt3A : i32
      %convert_element_type3A_96 = arith.extui %lt3A_95 : i1 to i32
      %cond3A_97 = arith.constant 0 : i32
      %cond3A_98 = arith.cmpi ne, %convert_element_type3A_96, %cond3A_97 : i32
      scf.if %cond3A_98 {
        %add3A_195 = arith.constant 2 : i32
        %add3A_196 = arith.addi %add3A_74, %add3A_195 : i32
        %dma_start3A_197 = arith.constant 0 : i32
        %dma_start3A_198 = tpu.memref_slice %arg7[%add3A_196, %dma_start3A_197] : memref<160x128xi32, #tpu.memory_space<vmem>> -> memref<1x128xi32, #tpu.memory_space<vmem>>
        %dma_start3A_199 = tpu.memref_squeeze %dma_start3A_198 : memref<1x128xi32, #tpu.memory_space<vmem>> -> memref<128xi32, #tpu.memory_space<vmem>>
        %dma_start3A_200 = arith.constant 0 : i32
        %dma_start3A_201 = arith.constant 0 : i32
        %dma_start3A_202 = tpu.memref_slice %arg4[%arg0, %dma_start3A_200, %dma_start3A_201] : memref<2x10240x64xf32, #tpu.memory_space<hbm>> -> memref<1x10240x64xf32, #tpu.memory_space<hbm>>
        %dma_start3A_203 = tpu.memref_squeeze %dma_start3A_202 : memref<1x10240x64xf32, #tpu.memory_space<hbm>> -> memref<10240x64xf32, #tpu.memory_space<hbm>>
        %dma_start3A_204 = arith.constant 0 : i32
        %dma_start3A_205 = arith.constant 0 : i32
        %dma_start3A_206 = tpu.memref_slice %dma_start3A_203[%dma_start3A_204, %dma_start3A_205] : memref<10240x64xf32, #tpu.memory_space<hbm>> -> memref<10240x64xf32, #tpu.memory_space<hbm>>
        tpu.enqueue_indirect_dma source(%dma_start3A_206 : memref<10240x64xf32, #tpu.memory_space<hbm>>) target(%arg11 : memref<128x64xf32, #tpu.memory_space<vmem>>) offsets(%dma_start3A_199 : memref<128xi32, #tpu.memory_space<vmem>>) semaphore(%arg17 : memref<!tpu.dma_semaphore, #tpu.memory_space<semaphore_mem>>)
      } else {
      }
      %mul3A_99 = arith.constant 4 : i32
      %mul3A_100 = arith.muli %scan3A_70, %mul3A_99 : i32
      %add3A_101 = arith.constant 1 : i32
      %add3A_102 = arith.addi %mul3A_100, %add3A_101 : i32
      %dma_wait3A_103 = arith.constant 0 : i32
      %dma_wait3A_104 = tpu.memref_slice %arg7[%add3A_102, %dma_wait3A_103] : memref<160x128xi32, #tpu.memory_space<vmem>> -> memref<1x128xi32, #tpu.memory_space<vmem>>
      %dma_wait3A_105 = tpu.memref_squeeze %dma_wait3A_104 : memref<1x128xi32, #tpu.memory_space<vmem>> -> memref<128xi32, #tpu.memory_space<vmem>>
      %dma_wait3A_106 = arith.constant 0 : i32
      %dma_wait3A_107 = arith.constant 0 : i32
      %dma_wait3A_108 = tpu.memref_slice %arg4[%arg0, %dma_wait3A_106, %dma_wait3A_107] : memref<2x10240x64xf32, #tpu.memory_space<hbm>> -> memref<1x10240x64xf32, #tpu.memory_space<hbm>>
      %dma_wait3A_109 = tpu.memref_squeeze %dma_wait3A_108 : memref<1x10240x64xf32, #tpu.memory_space<hbm>> -> memref<10240x64xf32, #tpu.memory_space<hbm>>
      %dma_wait3A_110 = arith.constant 0 : i32
      %dma_wait3A_111 = arith.constant 0 : i32
      %dma_wait3A_112 = tpu.memref_slice %dma_wait3A_109[%dma_wait3A_110, %dma_wait3A_111] : memref<10240x64xf32, #tpu.memory_space<hbm>> -> memref<10240x64xf32, #tpu.memory_space<hbm>>
      tpu.wait_indirect_dma semaphore(%arg16 : memref<!tpu.dma_semaphore, #tpu.memory_space<semaphore_mem>>) src(%dma_wait3A_112 : memref<10240x64xf32, #tpu.memory_space<hbm>>) dst(%arg10 : memref<128x64xf32, #tpu.memory_space<vmem>>)
      %dma_start3A_113 = arith.constant 0 : i32
      %dma_start3A_114 = tpu.memref_slice %arg8[%add3A_102, %dma_start3A_113] : memref<160x128xi32, #tpu.memory_space<vmem>> -> memref<1x128xi32, #tpu.memory_space<vmem>>
      %dma_start3A_115 = tpu.memref_squeeze %dma_start3A_114 : memref<1x128xi32, #tpu.memory_space<vmem>> -> memref<128xi32, #tpu.memory_space<vmem>>
      %dma_start3A_116 = arith.constant 0 : i32
      %dma_start3A_117 = arith.constant 0 : i32
      %dma_start3A_118 = tpu.memref_slice %arg14[%dma_start3A_116, %dma_start3A_117] : memref<10240x64xf32, #tpu.memory_space<vmem_shared>> -> memref<10240x64xf32, #tpu.memory_space<vmem_shared>>
      tpu.enqueue_indirect_dma source(%arg10 : memref<128x64xf32, #tpu.memory_space<vmem>>) target(%dma_start3A_118 : memref<10240x64xf32, #tpu.memory_space<vmem_shared>>) offsets(%dma_start3A_115 : memref<128xi32, #tpu.memory_space<vmem>>) semaphore(%arg20 : memref<!tpu.dma_semaphore, #tpu.memory_space<semaphore_mem>>) {add = true}
      %ge3A_119 = arith.constant 2 : i32
      %ge3A_120 = arith.cmpi sge, %add3A_102, %ge3A_119 : i32
      %convert_element_type3A_121 = arith.extui %ge3A_120 : i1 to i32
      %cond3A_122 = arith.constant 0 : i32
      %cond3A_123 = arith.cmpi ne, %convert_element_type3A_121, %cond3A_122 : i32
      scf.if %cond3A_123 {
        %sub3A = arith.constant 2 : i32
        %sub3A_195 = arith.subi %add3A_102, %sub3A : i32
        %dma_wait3A_196 = arith.constant 0 : i32
        %dma_wait3A_197 = tpu.memref_slice %arg8[%sub3A_195, %dma_wait3A_196] : memref<160x128xi32, #tpu.memory_space<vmem>> -> memref<1x128xi32, #tpu.memory_space<vmem>>
        %dma_wait3A_198 = tpu.memref_squeeze %dma_wait3A_197 : memref<1x128xi32, #tpu.memory_space<vmem>> -> memref<128xi32, #tpu.memory_space<vmem>>
        %dma_wait3A_199 = arith.constant 0 : i32
        %dma_wait3A_200 = arith.constant 0 : i32
        %dma_wait3A_201 = tpu.memref_slice %arg14[%dma_wait3A_199, %dma_wait3A_200] : memref<10240x64xf32, #tpu.memory_space<vmem_shared>> -> memref<10240x64xf32, #tpu.memory_space<vmem_shared>>
        tpu.wait_indirect_dma semaphore(%arg22 : memref<!tpu.dma_semaphore, #tpu.memory_space<semaphore_mem>>) src(%arg12 : memref<128x64xf32, #tpu.memory_space<vmem>>) dst(%dma_wait3A_201 : memref<10240x64xf32, #tpu.memory_space<vmem_shared>>)
      } else {
      }
      %add3A_124 = arith.constant 2 : i32
      %add3A_125 = arith.addi %add3A_102, %add3A_124 : i32
      %lt3A_126 = arith.constant 160 : i32
      %lt3A_127 = arith.cmpi slt, %add3A_125, %lt3A_126 : i32
      %convert_element_type3A_128 = arith.extui %lt3A_127 : i1 to i32
      %cond3A_129 = arith.constant 0 : i32
      %cond3A_130 = arith.cmpi ne, %convert_element_type3A_128, %cond3A_129 : i32
      scf.if %cond3A_130 {
        %add3A_195 = arith.constant 2 : i32
        %add3A_196 = arith.addi %add3A_102, %add3A_195 : i32
        %dma_start3A_197 = arith.constant 0 : i32
        %dma_start3A_198 = tpu.memref_slice %arg7[%add3A_196, %dma_start3A_197] : memref<160x128xi32, #tpu.memory_space<vmem>> -> memref<1x128xi32, #tpu.memory_space<vmem>>
        %dma_start3A_199 = tpu.memref_squeeze %dma_start3A_198 : memref<1x128xi32, #tpu.memory_space<vmem>> -> memref<128xi32, #tpu.memory_space<vmem>>
        %dma_start3A_200 = arith.constant 0 : i32
        %dma_start3A_201 = arith.constant 0 : i32
        %dma_start3A_202 = tpu.memref_slice %arg4[%arg0, %dma_start3A_200, %dma_start3A_201] : memref<2x10240x64xf32, #tpu.memory_space<hbm>> -> memref<1x10240x64xf32, #tpu.memory_space<hbm>>
        %dma_start3A_203 = tpu.memref_squeeze %dma_start3A_202 : memref<1x10240x64xf32, #tpu.memory_space<hbm>> -> memref<10240x64xf32, #tpu.memory_space<hbm>>
        %dma_start3A_204 = arith.constant 0 : i32
        %dma_start3A_205 = arith.constant 0 : i32
        %dma_start3A_206 = tpu.memref_slice %dma_start3A_203[%dma_start3A_204, %dma_start3A_205] : memref<10240x64xf32, #tpu.memory_space<hbm>> -> memref<10240x64xf32, #tpu.memory_space<hbm>>
        tpu.enqueue_indirect_dma source(%dma_start3A_206 : memref<10240x64xf32, #tpu.memory_space<hbm>>) target(%arg12 : memref<128x64xf32, #tpu.memory_space<vmem>>) offsets(%dma_start3A_199 : memref<128xi32, #tpu.memory_space<vmem>>) semaphore(%arg18 : memref<!tpu.dma_semaphore, #tpu.memory_space<semaphore_mem>>)
      } else {
      }
      %mul3A_131 = arith.constant 4 : i32
      %mul3A_132 = arith.muli %scan3A_70, %mul3A_131 : i32
      %add3A_133 = arith.constant 2 : i32
      %add3A_134 = arith.addi %mul3A_132, %add3A_133 : i32
      %dma_wait3A_135 = arith.constant 0 : i32
      %dma_wait3A_136 = tpu.memref_slice %arg7[%add3A_134, %dma_wait3A_135] : memref<160x128xi32, #tpu.memory_space<vmem>> -> memref<1x128xi32, #tpu.memory_space<vmem>>
      %dma_wait3A_137 = tpu.memref_squeeze %dma_wait3A_136 : memref<1x128xi32, #tpu.memory_space<vmem>> -> memref<128xi32, #tpu.memory_space<vmem>>
      %dma_wait3A_138 = arith.constant 0 : i32
      %dma_wait3A_139 = arith.constant 0 : i32
      %dma_wait3A_140 = tpu.memref_slice %arg4[%arg0, %dma_wait3A_138, %dma_wait3A_139] : memref<2x10240x64xf32, #tpu.memory_space<hbm>> -> memref<1x10240x64xf32, #tpu.memory_space<hbm>>
      %dma_wait3A_141 = tpu.memref_squeeze %dma_wait3A_140 : memref<1x10240x64xf32, #tpu.memory_space<hbm>> -> memref<10240x64xf32, #tpu.memory_space<hbm>>
      %dma_wait3A_142 = arith.constant 0 : i32
      %dma_wait3A_143 = arith.constant 0 : i32
      %dma_wait3A_144 = tpu.memref_slice %dma_wait3A_141[%dma_wait3A_142, %dma_wait3A_143] : memref<10240x64xf32, #tpu.memory_space<hbm>> -> memref<10240x64xf32, #tpu.memory_space<hbm>>
      tpu.wait_indirect_dma semaphore(%arg17 : memref<!tpu.dma_semaphore, #tpu.memory_space<semaphore_mem>>) src(%dma_wait3A_144 : memref<10240x64xf32, #tpu.memory_space<hbm>>) dst(%arg11 : memref<128x64xf32, #tpu.memory_space<vmem>>)
      %dma_start3A_145 = arith.constant 0 : i32
      %dma_start3A_146 = tpu.memref_slice %arg8[%add3A_134, %dma_start3A_145] : memref<160x128xi32, #tpu.memory_space<vmem>> -> memref<1x128xi32, #tpu.memory_space<vmem>>
      %dma_start3A_147 = tpu.memref_squeeze %dma_start3A_146 : memref<1x128xi32, #tpu.memory_space<vmem>> -> memref<128xi32, #tpu.memory_space<vmem>>
      %dma_start3A_148 = arith.constant 0 : i32
      %dma_start3A_149 = arith.constant 0 : i32
      %dma_start3A_150 = tpu.memref_slice %arg14[%dma_start3A_148, %dma_start3A_149] : memref<10240x64xf32, #tpu.memory_space<vmem_shared>> -> memref<10240x64xf32, #tpu.memory_space<vmem_shared>>
      tpu.enqueue_indirect_dma source(%arg11 : memref<128x64xf32, #tpu.memory_space<vmem>>) target(%dma_start3A_150 : memref<10240x64xf32, #tpu.memory_space<vmem_shared>>) offsets(%dma_start3A_147 : memref<128xi32, #tpu.memory_space<vmem>>) semaphore(%arg21 : memref<!tpu.dma_semaphore, #tpu.memory_space<semaphore_mem>>) {add = true}
      %ge3A_151 = arith.constant 2 : i32
      %ge3A_152 = arith.cmpi sge, %add3A_134, %ge3A_151 : i32
      %convert_element_type3A_153 = arith.extui %ge3A_152 : i1 to i32
      %cond3A_154 = arith.constant 0 : i32
      %cond3A_155 = arith.cmpi ne, %convert_element_type3A_153, %cond3A_154 : i32
      scf.if %cond3A_155 {
        %sub3A = arith.constant 2 : i32
        %sub3A_195 = arith.subi %add3A_134, %sub3A : i32
        %dma_wait3A_196 = arith.constant 0 : i32
        %dma_wait3A_197 = tpu.memref_slice %arg8[%sub3A_195, %dma_wait3A_196] : memref<160x128xi32, #tpu.memory_space<vmem>> -> memref<1x128xi32, #tpu.memory_space<vmem>>
        %dma_wait3A_198 = tpu.memref_squeeze %dma_wait3A_197 : memref<1x128xi32, #tpu.memory_space<vmem>> -> memref<128xi32, #tpu.memory_space<vmem>>
        %dma_wait3A_199 = arith.constant 0 : i32
        %dma_wait3A_200 = arith.constant 0 : i32
        %dma_wait3A_201 = tpu.memref_slice %arg14[%dma_wait3A_199, %dma_wait3A_200] : memref<10240x64xf32, #tpu.memory_space<vmem_shared>> -> memref<10240x64xf32, #tpu.memory_space<vmem_shared>>
        tpu.wait_indirect_dma semaphore(%arg19 : memref<!tpu.dma_semaphore, #tpu.memory_space<semaphore_mem>>) src(%arg9 : memref<128x64xf32, #tpu.memory_space<vmem>>) dst(%dma_wait3A_201 : memref<10240x64xf32, #tpu.memory_space<vmem_shared>>)
      } else {
      }
      %add3A_156 = arith.constant 2 : i32
      %add3A_157 = arith.addi %add3A_134, %add3A_156 : i32
      %lt3A_158 = arith.constant 160 : i32
      %lt3A_159 = arith.cmpi slt, %add3A_157, %lt3A_158 : i32
      %convert_element_type3A_160 = arith.extui %lt3A_159 : i1 to i32
      %cond3A_161 = arith.constant 0 : i32
      %cond3A_162 = arith.cmpi ne, %convert_element_type3A_160, %cond3A_161 : i32
      scf.if %cond3A_162 {
        %add3A_195 = arith.constant 2 : i32
        %add3A_196 = arith.addi %add3A_134, %add3A_195 : i32
        %dma_start3A_197 = arith.constant 0 : i32
        %dma_start3A_198 = tpu.memref_slice %arg7[%add3A_196, %dma_start3A_197] : memref<160x128xi32, #tpu.memory_space<vmem>> -> memref<1x128xi32, #tpu.memory_space<vmem>>
        %dma_start3A_199 = tpu.memref_squeeze %dma_start3A_198 : memref<1x128xi32, #tpu.memory_space<vmem>> -> memref<128xi32, #tpu.memory_space<vmem>>
        %dma_start3A_200 = arith.constant 0 : i32
        %dma_start3A_201 = arith.constant 0 : i32
        %dma_start3A_202 = tpu.memref_slice %arg4[%arg0, %dma_start3A_200, %dma_start3A_201] : memref<2x10240x64xf32, #tpu.memory_space<hbm>> -> memref<1x10240x64xf32, #tpu.memory_space<hbm>>
        %dma_start3A_203 = tpu.memref_squeeze %dma_start3A_202 : memref<1x10240x64xf32, #tpu.memory_space<hbm>> -> memref<10240x64xf32, #tpu.memory_space<hbm>>
        %dma_start3A_204 = arith.constant 0 : i32
        %dma_start3A_205 = arith.constant 0 : i32
        %dma_start3A_206 = tpu.memref_slice %dma_start3A_203[%dma_start3A_204, %dma_start3A_205] : memref<10240x64xf32, #tpu.memory_space<hbm>> -> memref<10240x64xf32, #tpu.memory_space<hbm>>
        tpu.enqueue_indirect_dma source(%dma_start3A_206 : memref<10240x64xf32, #tpu.memory_space<hbm>>) target(%arg9 : memref<128x64xf32, #tpu.memory_space<vmem>>) offsets(%dma_start3A_199 : memref<128xi32, #tpu.memory_space<vmem>>) semaphore(%arg15 : memref<!tpu.dma_semaphore, #tpu.memory_space<semaphore_mem>>)
      } else {
      }
      %mul3A_163 = arith.constant 4 : i32
      %mul3A_164 = arith.muli %scan3A_70, %mul3A_163 : i32
      %add3A_165 = arith.constant 3 : i32
      %add3A_166 = arith.addi %mul3A_164, %add3A_165 : i32
      %dma_wait3A_167 = arith.constant 0 : i32
      %dma_wait3A_168 = tpu.memref_slice %arg7[%add3A_166, %dma_wait3A_167] : memref<160x128xi32, #tpu.memory_space<vmem>> -> memref<1x128xi32, #tpu.memory_space<vmem>>
      %dma_wait3A_169 = tpu.memref_squeeze %dma_wait3A_168 : memref<1x128xi32, #tpu.memory_space<vmem>> -> memref<128xi32, #tpu.memory_space<vmem>>
      %dma_wait3A_170 = arith.constant 0 : i32
      %dma_wait3A_171 = arith.constant 0 : i32
      %dma_wait3A_172 = tpu.memref_slice %arg4[%arg0, %dma_wait3A_170, %dma_wait3A_171] : memref<2x10240x64xf32, #tpu.memory_space<hbm>> -> memref<1x10240x64xf32, #tpu.memory_space<hbm>>
      %dma_wait3A_173 = tpu.memref_squeeze %dma_wait3A_172 : memref<1x10240x64xf32, #tpu.memory_space<hbm>> -> memref<10240x64xf32, #tpu.memory_space<hbm>>
      %dma_wait3A_174 = arith.constant 0 : i32
      %dma_wait3A_175 = arith.constant 0 : i32
      %dma_wait3A_176 = tpu.memref_slice %dma_wait3A_173[%dma_wait3A_174, %dma_wait3A_175] : memref<10240x64xf32, #tpu.memory_space<hbm>> -> memref<10240x64xf32, #tpu.memory_space<hbm>>
      tpu.wait_indirect_dma semaphore(%arg18 : memref<!tpu.dma_semaphore, #tpu.memory_space<semaphore_mem>>) src(%dma_wait3A_176 : memref<10240x64xf32, #tpu.memory_space<hbm>>) dst(%arg12 : memref<128x64xf32, #tpu.memory_space<vmem>>)
      %dma_start3A_177 = arith.constant 0 : i32
      %dma_start3A_178 = tpu.memref_slice %arg8[%add3A_166, %dma_start3A_177] : memref<160x128xi32, #tpu.memory_space<vmem>> -> memref<1x128xi32, #tpu.memory_space<vmem>>
      %dma_start3A_179 = tpu.memref_squeeze %dma_start3A_178 : memref<1x128xi32, #tpu.memory_space<vmem>> -> memref<128xi32, #tpu.memory_space<vmem>>
      %dma_start3A_180 = arith.constant 0 : i32
      %dma_start3A_181 = arith.constant 0 : i32
      %dma_start3A_182 = tpu.memref_slice %arg14[%dma_start3A_180, %dma_start3A_181] : memref<10240x64xf32, #tpu.memory_space<vmem_shared>> -> memref<10240x64xf32, #tpu.memory_space<vmem_shared>>
      tpu.enqueue_indirect_dma source(%arg12 : memref<128x64xf32, #tpu.memory_space<vmem>>) target(%dma_start3A_182 : memref<10240x64xf32, #tpu.memory_space<vmem_shared>>) offsets(%dma_start3A_179 : memref<128xi32, #tpu.memory_space<vmem>>) semaphore(%arg22 : memref<!tpu.dma_semaphore, #tpu.memory_space<semaphore_mem>>) {add = true}
      %ge3A_183 = arith.constant 2 : i32
      %ge3A_184 = arith.cmpi sge, %add3A_166, %ge3A_183 : i32
      %convert_element_type3A_185 = arith.extui %ge3A_184 : i1 to i32
      %cond3A_186 = arith.constant 0 : i32
      %cond3A_187 = arith.cmpi ne, %convert_element_type3A_185, %cond3A_186 : i32
      scf.if %cond3A_187 {
        %sub3A = arith.constant 2 : i32
        %sub3A_195 = arith.subi %add3A_166, %sub3A : i32
        %dma_wait3A_196 = arith.constant 0 : i32
        %dma_wait3A_197 = tpu.memref_slice %arg8[%sub3A_195, %dma_wait3A_196] : memref<160x128xi32, #tpu.memory_space<vmem>> -> memref<1x128xi32, #tpu.memory_space<vmem>>
        %dma_wait3A_198 = tpu.memref_squeeze %dma_wait3A_197 : memref<1x128xi32, #tpu.memory_space<vmem>> -> memref<128xi32, #tpu.memory_space<vmem>>
        %dma_wait3A_199 = arith.constant 0 : i32
        %dma_wait3A_200 = arith.constant 0 : i32
        %dma_wait3A_201 = tpu.memref_slice %arg14[%dma_wait3A_199, %dma_wait3A_200] : memref<10240x64xf32, #tpu.memory_space<vmem_shared>> -> memref<10240x64xf32, #tpu.memory_space<vmem_shared>>
        tpu.wait_indirect_dma semaphore(%arg20 : memref<!tpu.dma_semaphore, #tpu.memory_space<semaphore_mem>>) src(%arg10 : memref<128x64xf32, #tpu.memory_space<vmem>>) dst(%dma_wait3A_201 : memref<10240x64xf32, #tpu.memory_space<vmem_shared>>)
      } else {
      }
      %add3A_188 = arith.constant 2 : i32
      %add3A_189 = arith.addi %add3A_166, %add3A_188 : i32
      %lt3A_190 = arith.constant 160 : i32
      %lt3A_191 = arith.cmpi slt, %add3A_189, %lt3A_190 : i32
      %convert_element_type3A_192 = arith.extui %lt3A_191 : i1 to i32
      %cond3A_193 = arith.constant 0 : i32
      %cond3A_194 = arith.cmpi ne, %convert_element_type3A_192, %cond3A_193 : i32
      scf.if %cond3A_194 {
        %add3A_195 = arith.constant 2 : i32
        %add3A_196 = arith.addi %add3A_166, %add3A_195 : i32
        %dma_start3A_197 = arith.constant 0 : i32
        %dma_start3A_198 = tpu.memref_slice %arg7[%add3A_196, %dma_start3A_197] : memref<160x128xi32, #tpu.memory_space<vmem>> -> memref<1x128xi32, #tpu.memory_space<vmem>>
        %dma_start3A_199 = tpu.memref_squeeze %dma_start3A_198 : memref<1x128xi32, #tpu.memory_space<vmem>> -> memref<128xi32, #tpu.memory_space<vmem>>
        %dma_start3A_200 = arith.constant 0 : i32
        %dma_start3A_201 = arith.constant 0 : i32
        %dma_start3A_202 = tpu.memref_slice %arg4[%arg0, %dma_start3A_200, %dma_start3A_201] : memref<2x10240x64xf32, #tpu.memory_space<hbm>> -> memref<1x10240x64xf32, #tpu.memory_space<hbm>>
        %dma_start3A_203 = tpu.memref_squeeze %dma_start3A_202 : memref<1x10240x64xf32, #tpu.memory_space<hbm>> -> memref<10240x64xf32, #tpu.memory_space<hbm>>
        %dma_start3A_204 = arith.constant 0 : i32
        %dma_start3A_205 = arith.constant 0 : i32
        %dma_start3A_206 = tpu.memref_slice %dma_start3A_203[%dma_start3A_204, %dma_start3A_205] : memref<10240x64xf32, #tpu.memory_space<hbm>> -> memref<10240x64xf32, #tpu.memory_space<hbm>>
        tpu.enqueue_indirect_dma source(%dma_start3A_206 : memref<10240x64xf32, #tpu.memory_space<hbm>>) target(%arg10 : memref<128x64xf32, #tpu.memory_space<vmem>>) offsets(%dma_start3A_199 : memref<128xi32, #tpu.memory_space<vmem>>) semaphore(%arg16 : memref<!tpu.dma_semaphore, #tpu.memory_space<semaphore_mem>>)
      } else {
      }
    }
    %scan3A_35 = arith.constant 40 : i32
    %dma_wait3A = arith.constant 158 : i32
    %dma_wait3A_36 = arith.constant 0 : i32
    %dma_wait3A_37 = tpu.memref_slice %arg8[%dma_wait3A, %dma_wait3A_36] : memref<160x128xi32, #tpu.memory_space<vmem>> -> memref<1x128xi32, #tpu.memory_space<vmem>>
    %dma_wait3A_38 = tpu.memref_squeeze %dma_wait3A_37 : memref<1x128xi32, #tpu.memory_space<vmem>> -> memref<128xi32, #tpu.memory_space<vmem>>
    %dma_wait3A_39 = arith.constant 0 : i32
    %dma_wait3A_40 = arith.constant 0 : i32
    %dma_wait3A_41 = tpu.memref_slice %arg14[%dma_wait3A_39, %dma_wait3A_40] : memref<10240x64xf32, #tpu.memory_space<vmem_shared>> -> memref<10240x64xf32, #tpu.memory_space<vmem_shared>>
    tpu.wait_indirect_dma semaphore(%arg21 : memref<!tpu.dma_semaphore, #tpu.memory_space<semaphore_mem>>) src(%arg11 : memref<128x64xf32, #tpu.memory_space<vmem>>) dst(%dma_wait3A_41 : memref<10240x64xf32, #tpu.memory_space<vmem_shared>>)
    %dma_wait3A_42 = arith.constant 159 : i32
    %dma_wait3A_43 = arith.constant 0 : i32
    %dma_wait3A_44 = tpu.memref_slice %arg8[%dma_wait3A_42, %dma_wait3A_43] : memref<160x128xi32, #tpu.memory_space<vmem>> -> memref<1x128xi32, #tpu.memory_space<vmem>>
    %dma_wait3A_45 = tpu.memref_squeeze %dma_wait3A_44 : memref<1x128xi32, #tpu.memory_space<vmem>> -> memref<128xi32, #tpu.memory_space<vmem>>
    %dma_wait3A_46 = arith.constant 0 : i32
    %dma_wait3A_47 = arith.constant 0 : i32
    %dma_wait3A_48 = tpu.memref_slice %arg14[%dma_wait3A_46, %dma_wait3A_47] : memref<10240x64xf32, #tpu.memory_space<vmem_shared>> -> memref<10240x64xf32, #tpu.memory_space<vmem_shared>>
    tpu.wait_indirect_dma semaphore(%arg22 : memref<!tpu.dma_semaphore, #tpu.memory_space<semaphore_mem>>) src(%arg12 : memref<128x64xf32, #tpu.memory_space<vmem>>) dst(%dma_wait3A_48 : memref<10240x64xf32, #tpu.memory_space<vmem_shared>>)
    %barrier3A_49 = arith.constant 0 : index
    tpu.barrier barrier_id(%barrier3A_49)
    %add3A_50 = arith.constant 0 : i32
    %add3A_51 = arith.addi %mul3A_0, %add3A_50 : i32
    "tpu.region"() ({
      %run_scoped3A = tpu.sem_alloc : memref<!tpu.dma_semaphore, #tpu.memory_space<semaphore_mem>>
      %dma_start3A_70 = arith.constant 0 : i32
      %dma_start3A_71 = tpu.memref_slice %arg14[%add3A_51, %dma_start3A_70] : memref<10240x64xf32, #tpu.memory_space<vmem_shared>> -> memref<128x64xf32, #tpu.memory_space<vmem_shared>>
      %dma_start3A_72 = arith.constant 0 : i32
      %dma_start3A_73 = tpu.memref_slice %arg14[%add3A_51, %dma_start3A_72] : memref<10240x64xf32, #tpu.memory_space<vmem_shared>> -> memref<128x64xf32, #tpu.memory_space<vmem_shared>>
      tpu.enqueue_dma source(%dma_start3A_73 : memref<128x64xf32, #tpu.memory_space<vmem_shared>>) target(%arg13 : memref<128x64xf32, #tpu.memory_space<vmem>>) target_semaphore(%run_scoped3A : memref<!tpu.dma_semaphore, #tpu.memory_space<semaphore_mem>>)
      %dma_wait3A_74 = arith.constant 0 : i32
      %dma_wait3A_75 = tpu.memref_slice %arg14[%add3A_51, %dma_wait3A_74] : memref<10240x64xf32, #tpu.memory_space<vmem_shared>> -> memref<128x64xf32, #tpu.memory_space<vmem_shared>>
      %dma_wait3A_76 = arith.constant 0 : i32
      %dma_wait3A_77 = tpu.memref_slice %arg14[%add3A_51, %dma_wait3A_76] : memref<10240x64xf32, #tpu.memory_space<vmem_shared>> -> memref<128x64xf32, #tpu.memory_space<vmem_shared>>
      tpu.wait_dma2 semaphore(%run_scoped3A : memref<!tpu.dma_semaphore, #tpu.memory_space<semaphore_mem>>) src(%dma_wait3A_77 : memref<128x64xf32, #tpu.memory_space<vmem_shared>>) dst(%arg13 : memref<128x64xf32, #tpu.memory_space<vmem>>)
      tpu.yield
    }) : () -> ()
    %add3A_52 = arith.constant 0 : i32
    %add3A_53 = arith.addi %mul3A_0, %add3A_52 : i32
    "tpu.region"() ({
      %run_scoped3A = tpu.sem_alloc : memref<!tpu.dma_semaphore, #tpu.memory_space<semaphore_mem>>
      %dma_start3A_70 = arith.constant 0 : i32
      %dma_start3A_71 = tpu.memref_slice %arg6[%arg0, %add3A_53, %dma_start3A_70] : memref<2x10240x64xf32, #tpu.memory_space<hbm>> -> memref<1x128x64xf32, #tpu.memory_space<hbm>>
      %dma_start3A_72 = tpu.memref_squeeze %dma_start3A_71 : memref<1x128x64xf32, #tpu.memory_space<hbm>> -> memref<128x64xf32, #tpu.memory_space<hbm>>
      %dma_start3A_73 = arith.constant 0 : i32
      %dma_start3A_74 = tpu.memref_slice %arg6[%arg0, %add3A_53, %dma_start3A_73] : memref<2x10240x64xf32, #tpu.memory_space<hbm>> -> memref<1x128x64xf32, #tpu.memory_space<hbm>>
      %dma_start3A_75 = tpu.memref_squeeze %dma_start3A_74 : memref<1x128x64xf32, #tpu.memory_space<hbm>> -> memref<128x64xf32, #tpu.memory_space<hbm>>
      tpu.enqueue_dma source(%arg13 : memref<128x64xf32, #tpu.memory_space<vmem>>) target(%dma_start3A_75 : memref<128x64xf32, #tpu.memory_space<hbm>>) target_semaphore(%run_scoped3A : memref<!tpu.dma_semaphore, #tpu.memory_space<semaphore_mem>>)
      %dma_wait3A_76 = arith.constant 0 : i32
      %dma_wait3A_77 = tpu.memref_slice %arg6[%arg0, %add3A_53, %dma_wait3A_76] : memref<2x10240x64xf32, #tpu.memory_space<hbm>> -> memref<1x128x64xf32, #tpu.memory_space<hbm>>
      %dma_wait3A_78 = tpu.memref_squeeze %dma_wait3A_77 : memref<1x128x64xf32, #tpu.memory_space<hbm>> -> memref<128x64xf32, #tpu.memory_space<hbm>>
      %dma_wait3A_79 = arith.constant 0 : i32
      %dma_wait3A_80 = tpu.memref_slice %arg6[%arg0, %add3A_53, %dma_wait3A_79] : memref<2x10240x64xf32, #tpu.memory_space<hbm>> -> memref<1x128x64xf32, #tpu.memory_space<hbm>>
      %dma_wait3A_81 = tpu.memref_squeeze %dma_wait3A_80 : memref<1x128x64xf32, #tpu.memory_space<hbm>> -> memref<128x64xf32, #tpu.memory_space<hbm>>
      tpu.wait_dma2 semaphore(%run_scoped3A : memref<!tpu.dma_semaphore, #tpu.memory_space<semaphore_mem>>) src(%arg13 : memref<128x64xf32, #tpu.memory_space<vmem>>) dst(%dma_wait3A_81 : memref<128x64xf32, #tpu.memory_space<hbm>>)
      tpu.yield
    }) : () -> ()
    %add3A_54 = arith.constant 128 : i32
    %add3A_55 = arith.addi %mul3A_0, %add3A_54 : i32
    "tpu.region"() ({
      %run_scoped3A = tpu.sem_alloc : memref<!tpu.dma_semaphore, #tpu.memory_space<semaphore_mem>>
      %dma_start3A_70 = arith.constant 0 : i32
      %dma_start3A_71 = tpu.memref_slice %arg14[%add3A_55, %dma_start3A_70] : memref<10240x64xf32, #tpu.memory_space<vmem_shared>> -> memref<128x64xf32, #tpu.memory_space<vmem_shared>>
      %dma_start3A_72 = arith.constant 0 : i32
      %dma_start3A_73 = tpu.memref_slice %arg14[%add3A_55, %dma_start3A_72] : memref<10240x64xf32, #tpu.memory_space<vmem_shared>> -> memref<128x64xf32, #tpu.memory_space<vmem_shared>>
      tpu.enqueue_dma source(%dma_start3A_73 : memref<128x64xf32, #tpu.memory_space<vmem_shared>>) target(%arg13 : memref<128x64xf32, #tpu.memory_space<vmem>>) target_semaphore(%run_scoped3A : memref<!tpu.dma_semaphore, #tpu.memory_space<semaphore_mem>>)
      %dma_wait3A_74 = arith.constant 0 : i32
      %dma_wait3A_75 = tpu.memref_slice %arg14[%add3A_55, %dma_wait3A_74] : memref<10240x64xf32, #tpu.memory_space<vmem_shared>> -> memref<128x64xf32, #tpu.memory_space<vmem_shared>>
      %dma_wait3A_76 = arith.constant 0 : i32
      %dma_wait3A_77 = tpu.memref_slice %arg14[%add3A_55, %dma_wait3A_76] : memref<10240x64xf32, #tpu.memory_space<vmem_shared>> -> memref<128x64xf32, #tpu.memory_space<vmem_shared>>
      tpu.wait_dma2 semaphore(%run_scoped3A : memref<!tpu.dma_semaphore, #tpu.memory_space<semaphore_mem>>) src(%dma_wait3A_77 : memref<128x64xf32, #tpu.memory_space<vmem_shared>>) dst(%arg13 : memref<128x64xf32, #tpu.memory_space<vmem>>)
      tpu.yield
    }) : () -> ()
    %add3A_56 = arith.constant 128 : i32
    %add3A_57 = arith.addi %mul3A_0, %add3A_56 : i32
    "tpu.region"() ({
      %run_scoped3A = tpu.sem_alloc : memref<!tpu.dma_semaphore, #tpu.memory_space<semaphore_mem>>
      %dma_start3A_70 = arith.constant 0 : i32
      %dma_start3A_71 = tpu.memref_slice %arg6[%arg0, %add3A_57, %dma_start3A_70] : memref<2x10240x64xf32, #tpu.memory_space<hbm>> -> memref<1x128x64xf32, #tpu.memory_space<hbm>>
      %dma_start3A_72 = tpu.memref_squeeze %dma_start3A_71 : memref<1x128x64xf32, #tpu.memory_space<hbm>> -> memref<128x64xf32, #tpu.memory_space<hbm>>
      %dma_start3A_73 = arith.constant 0 : i32
      %dma_start3A_74 = tpu.memref_slice %arg6[%arg0, %add3A_57, %dma_start3A_73] : memref<2x10240x64xf32, #tpu.memory_space<hbm>> -> memref<1x128x64xf32, #tpu.memory_space<hbm>>
      %dma_start3A_75 = tpu.memref_squeeze %dma_start3A_74 : memref<1x128x64xf32, #tpu.memory_space<hbm>> -> memref<128x64xf32, #tpu.memory_space<hbm>>
      tpu.enqueue_dma source(%arg13 : memref<128x64xf32, #tpu.memory_space<vmem>>) target(%dma_start3A_75 : memref<128x64xf32, #tpu.memory_space<hbm>>) target_semaphore(%run_scoped3A : memref<!tpu.dma_semaphore, #tpu.memory_space<semaphore_mem>>)
      %dma_wait3A_76 = arith.constant 0 : i32
      %dma_wait3A_77 = tpu.memref_slice %arg6[%arg0, %add3A_57, %dma_wait3A_76] : memref<2x10240x64xf32, #tpu.memory_space<hbm>> -> memref<1x128x64xf32, #tpu.memory_space<hbm>>
      %dma_wait3A_78 = tpu.memref_squeeze %dma_wait3A_77 : memref<1x128x64xf32, #tpu.memory_space<hbm>> -> memref<128x64xf32, #tpu.memory_space<hbm>>
      %dma_wait3A_79 = arith.constant 0 : i32
      %dma_wait3A_80 = tpu.memref_slice %arg6[%arg0, %add3A_57, %dma_wait3A_79] : memref<2x10240x64xf32, #tpu.memory_space<hbm>> -> memref<1x128x64xf32, #tpu.memory_space<hbm>>
      %dma_wait3A_81 = tpu.memref_squeeze %dma_wait3A_80 : memref<1x128x64xf32, #tpu.memory_space<hbm>> -> memref<128x64xf32, #tpu.memory_space<hbm>>
      tpu.wait_dma2 semaphore(%run_scoped3A : memref<!tpu.dma_semaphore, #tpu.memory_space<semaphore_mem>>) src(%arg13 : memref<128x64xf32, #tpu.memory_space<vmem>>) dst(%dma_wait3A_81 : memref<128x64xf32, #tpu.memory_space<hbm>>)
      tpu.yield
    }) : () -> ()
    %add3A_58 = arith.constant 256 : i32
    %add3A_59 = arith.addi %mul3A_0, %add3A_58 : i32
    "tpu.region"() ({
      %run_scoped3A = tpu.sem_alloc : memref<!tpu.dma_semaphore, #tpu.memory_space<semaphore_mem>>
      %dma_start3A_70 = arith.constant 0 : i32
      %dma_start3A_71 = tpu.memref_slice %arg14[%add3A_59, %dma_start3A_70] : memref<10240x64xf32, #tpu.memory_space<vmem_shared>> -> memref<128x64xf32, #tpu.memory_space<vmem_shared>>
      %dma_start3A_72 = arith.constant 0 : i32
      %dma_start3A_73 = tpu.memref_slice %arg14[%add3A_59, %dma_start3A_72] : memref<10240x64xf32, #tpu.memory_space<vmem_shared>> -> memref<128x64xf32, #tpu.memory_space<vmem_shared>>
      tpu.enqueue_dma source(%dma_start3A_73 : memref<128x64xf32, #tpu.memory_space<vmem_shared>>) target(%arg13 : memref<128x64xf32, #tpu.memory_space<vmem>>) target_semaphore(%run_scoped3A : memref<!tpu.dma_semaphore, #tpu.memory_space<semaphore_mem>>)
      %dma_wait3A_74 = arith.constant 0 : i32
      %dma_wait3A_75 = tpu.memref_slice %arg14[%add3A_59, %dma_wait3A_74] : memref<10240x64xf32, #tpu.memory_space<vmem_shared>> -> memref<128x64xf32, #tpu.memory_space<vmem_shared>>
      %dma_wait3A_76 = arith.constant 0 : i32
      %dma_wait3A_77 = tpu.memref_slice %arg14[%add3A_59, %dma_wait3A_76] : memref<10240x64xf32, #tpu.memory_space<vmem_shared>> -> memref<128x64xf32, #tpu.memory_space<vmem_shared>>
      tpu.wait_dma2 semaphore(%run_scoped3A : memref<!tpu.dma_semaphore, #tpu.memory_space<semaphore_mem>>) src(%dma_wait3A_77 : memref<128x64xf32, #tpu.memory_space<vmem_shared>>) dst(%arg13 : memref<128x64xf32, #tpu.memory_space<vmem>>)
      tpu.yield
    }) : () -> ()
    %add3A_60 = arith.constant 256 : i32
    %add3A_61 = arith.addi %mul3A_0, %add3A_60 : i32
    "tpu.region"() ({
      %run_scoped3A = tpu.sem_alloc : memref<!tpu.dma_semaphore, #tpu.memory_space<semaphore_mem>>
      %dma_start3A_70 = arith.constant 0 : i32
      %dma_start3A_71 = tpu.memref_slice %arg6[%arg0, %add3A_61, %dma_start3A_70] : memref<2x10240x64xf32, #tpu.memory_space<hbm>> -> memref<1x128x64xf32, #tpu.memory_space<hbm>>
      %dma_start3A_72 = tpu.memref_squeeze %dma_start3A_71 : memref<1x128x64xf32, #tpu.memory_space<hbm>> -> memref<128x64xf32, #tpu.memory_space<hbm>>
      %dma_start3A_73 = arith.constant 0 : i32
      %dma_start3A_74 = tpu.memref_slice %arg6[%arg0, %add3A_61, %dma_start3A_73] : memref<2x10240x64xf32, #tpu.memory_space<hbm>> -> memref<1x128x64xf32, #tpu.memory_space<hbm>>
      %dma_start3A_75 = tpu.memref_squeeze %dma_start3A_74 : memref<1x128x64xf32, #tpu.memory_space<hbm>> -> memref<128x64xf32, #tpu.memory_space<hbm>>
      tpu.enqueue_dma source(%arg13 : memref<128x64xf32, #tpu.memory_space<vmem>>) target(%dma_start3A_75 : memref<128x64xf32, #tpu.memory_space<hbm>>) target_semaphore(%run_scoped3A : memref<!tpu.dma_semaphore, #tpu.memory_space<semaphore_mem>>)
      %dma_wait3A_76 = arith.constant 0 : i32
      %dma_wait3A_77 = tpu.memref_slice %arg6[%arg0, %add3A_61, %dma_wait3A_76] : memref<2x10240x64xf32, #tpu.memory_space<hbm>> -> memref<1x128x64xf32, #tpu.memory_space<hbm>>
      %dma_wait3A_78 = tpu.memref_squeeze %dma_wait3A_77 : memref<1x128x64xf32, #tpu.memory_space<hbm>> -> memref<128x64xf32, #tpu.memory_space<hbm>>
      %dma_wait3A_79 = arith.constant 0 : i32
      %dma_wait3A_80 = tpu.memref_slice %arg6[%arg0, %add3A_61, %dma_wait3A_79] : memref<2x10240x64xf32, #tpu.memory_space<hbm>> -> memref<1x128x64xf32, #tpu.memory_space<hbm>>
      %dma_wait3A_81 = tpu.memref_squeeze %dma_wait3A_80 : memref<1x128x64xf32, #tpu.memory_space<hbm>> -> memref<128x64xf32, #tpu.memory_space<hbm>>
      tpu.wait_dma2 semaphore(%run_scoped3A : memref<!tpu.dma_semaphore, #tpu.memory_space<semaphore_mem>>) src(%arg13 : memref<128x64xf32, #tpu.memory_space<vmem>>) dst(%dma_wait3A_81 : memref<128x64xf32, #tpu.memory_space<hbm>>)
      tpu.yield
    }) : () -> ()
    %add3A_62 = arith.constant 384 : i32
    %add3A_63 = arith.addi %mul3A_0, %add3A_62 : i32
    "tpu.region"() ({
      %run_scoped3A = tpu.sem_alloc : memref<!tpu.dma_semaphore, #tpu.memory_space<semaphore_mem>>
      %dma_start3A_70 = arith.constant 0 : i32
      %dma_start3A_71 = tpu.memref_slice %arg14[%add3A_63, %dma_start3A_70] : memref<10240x64xf32, #tpu.memory_space<vmem_shared>> -> memref<128x64xf32, #tpu.memory_space<vmem_shared>>
      %dma_start3A_72 = arith.constant 0 : i32
      %dma_start3A_73 = tpu.memref_slice %arg14[%add3A_63, %dma_start3A_72] : memref<10240x64xf32, #tpu.memory_space<vmem_shared>> -> memref<128x64xf32, #tpu.memory_space<vmem_shared>>
      tpu.enqueue_dma source(%dma_start3A_73 : memref<128x64xf32, #tpu.memory_space<vmem_shared>>) target(%arg13 : memref<128x64xf32, #tpu.memory_space<vmem>>) target_semaphore(%run_scoped3A : memref<!tpu.dma_semaphore, #tpu.memory_space<semaphore_mem>>)
      %dma_wait3A_74 = arith.constant 0 : i32
      %dma_wait3A_75 = tpu.memref_slice %arg14[%add3A_63, %dma_wait3A_74] : memref<10240x64xf32, #tpu.memory_space<vmem_shared>> -> memref<128x64xf32, #tpu.memory_space<vmem_shared>>
      %dma_wait3A_76 = arith.constant 0 : i32
      %dma_wait3A_77 = tpu.memref_slice %arg14[%add3A_63, %dma_wait3A_76] : memref<10240x64xf32, #tpu.memory_space<vmem_shared>> -> memref<128x64xf32, #tpu.memory_space<vmem_shared>>
      tpu.wait_dma2 semaphore(%run_scoped3A : memref<!tpu.dma_semaphore, #tpu.memory_space<semaphore_mem>>) src(%dma_wait3A_77 : memref<128x64xf32, #tpu.memory_space<vmem_shared>>) dst(%arg13 : memref<128x64xf32, #tpu.memory_space<vmem>>)
      tpu.yield
    }) : () -> ()
    %add3A_64 = arith.constant 384 : i32
    %add3A_65 = arith.addi %mul3A_0, %add3A_64 : i32
    "tpu.region"() ({
      %run_scoped3A = tpu.sem_alloc : memref<!tpu.dma_semaphore, #tpu.memory_space<semaphore_mem>>
      %dma_start3A_70 = arith.constant 0 : i32
      %dma_start3A_71 = tpu.memref_slice %arg6[%arg0, %add3A_65, %dma_start3A_70] : memref<2x10240x64xf32, #tpu.memory_space<hbm>> -> memref<1x128x64xf32, #tpu.memory_space<hbm>>
      %dma_start3A_72 = tpu.memref_squeeze %dma_start3A_71 : memref<1x128x64xf32, #tpu.memory_space<hbm>> -> memref<128x64xf32, #tpu.memory_space<hbm>>
      %dma_start3A_73 = arith.constant 0 : i32
      %dma_start3A_74 = tpu.memref_slice %arg6[%arg0, %add3A_65, %dma_start3A_73] : memref<2x10240x64xf32, #tpu.memory_space<hbm>> -> memref<1x128x64xf32, #tpu.memory_space<hbm>>
      %dma_start3A_75 = tpu.memref_squeeze %dma_start3A_74 : memref<1x128x64xf32, #tpu.memory_space<hbm>> -> memref<128x64xf32, #tpu.memory_space<hbm>>
      tpu.enqueue_dma source(%arg13 : memref<128x64xf32, #tpu.memory_space<vmem>>) target(%dma_start3A_75 : memref<128x64xf32, #tpu.memory_space<hbm>>) target_semaphore(%run_scoped3A : memref<!tpu.dma_semaphore, #tpu.memory_space<semaphore_mem>>)
      %dma_wait3A_76 = arith.constant 0 : i32
      %dma_wait3A_77 = tpu.memref_slice %arg6[%arg0, %add3A_65, %dma_wait3A_76] : memref<2x10240x64xf32, #tpu.memory_space<hbm>> -> memref<1x128x64xf32, #tpu.memory_space<hbm>>
      %dma_wait3A_78 = tpu.memref_squeeze %dma_wait3A_77 : memref<1x128x64xf32, #tpu.memory_space<hbm>> -> memref<128x64xf32, #tpu.memory_space<hbm>>
      %dma_wait3A_79 = arith.constant 0 : i32
      %dma_wait3A_80 = tpu.memref_slice %arg6[%arg0, %add3A_65, %dma_wait3A_79] : memref<2x10240x64xf32, #tpu.memory_space<hbm>> -> memref<1x128x64xf32, #tpu.memory_space<hbm>>
      %dma_wait3A_81 = tpu.memref_squeeze %dma_wait3A_80 : memref<1x128x64xf32, #tpu.memory_space<hbm>> -> memref<128x64xf32, #tpu.memory_space<hbm>>
      tpu.wait_dma2 semaphore(%run_scoped3A : memref<!tpu.dma_semaphore, #tpu.memory_space<semaphore_mem>>) src(%arg13 : memref<128x64xf32, #tpu.memory_space<vmem>>) dst(%dma_wait3A_81 : memref<128x64xf32, #tpu.memory_space<hbm>>)
      tpu.yield
    }) : () -> ()
    %add3A_66 = arith.constant 512 : i32
    %add3A_67 = arith.addi %mul3A_0, %add3A_66 : i32
    "tpu.region"() ({
      %run_scoped3A = tpu.sem_alloc : memref<!tpu.dma_semaphore, #tpu.memory_space<semaphore_mem>>
      %dma_start3A_70 = arith.constant 0 : i32
      %dma_start3A_71 = tpu.memref_slice %arg14[%add3A_67, %dma_start3A_70] : memref<10240x64xf32, #tpu.memory_space<vmem_shared>> -> memref<128x64xf32, #tpu.memory_space<vmem_shared>>
      %dma_start3A_72 = arith.constant 0 : i32
      %dma_start3A_73 = tpu.memref_slice %arg14[%add3A_67, %dma_start3A_72] : memref<10240x64xf32, #tpu.memory_space<vmem_shared>> -> memref<128x64xf32, #tpu.memory_space<vmem_shared>>
      tpu.enqueue_dma source(%dma_start3A_73 : memref<128x64xf32, #tpu.memory_space<vmem_shared>>) target(%arg13 : memref<128x64xf32, #tpu.memory_space<vmem>>) target_semaphore(%run_scoped3A : memref<!tpu.dma_semaphore, #tpu.memory_space<semaphore_mem>>)
      %dma_wait3A_74 = arith.constant 0 : i32
      %dma_wait3A_75 = tpu.memref_slice %arg14[%add3A_67, %dma_wait3A_74] : memref<10240x64xf32, #tpu.memory_space<vmem_shared>> -> memref<128x64xf32, #tpu.memory_space<vmem_shared>>
      %dma_wait3A_76 = arith.constant 0 : i32
      %dma_wait3A_77 = tpu.memref_slice %arg14[%add3A_67, %dma_wait3A_76] : memref<10240x64xf32, #tpu.memory_space<vmem_shared>> -> memref<128x64xf32, #tpu.memory_space<vmem_shared>>
      tpu.wait_dma2 semaphore(%run_scoped3A : memref<!tpu.dma_semaphore, #tpu.memory_space<semaphore_mem>>) src(%dma_wait3A_77 : memref<128x64xf32, #tpu.memory_space<vmem_shared>>) dst(%arg13 : memref<128x64xf32, #tpu.memory_space<vmem>>)
      tpu.yield
    }) : () -> ()
    %add3A_68 = arith.constant 512 : i32
    %add3A_69 = arith.addi %mul3A_0, %add3A_68 : i32
    "tpu.region"() ({
      %run_scoped3A = tpu.sem_alloc : memref<!tpu.dma_semaphore, #tpu.memory_space<semaphore_mem>>
      %dma_start3A_70 = arith.constant 0 : i32
      %dma_start3A_71 = tpu.memref_slice %arg6[%arg0, %add3A_69, %dma_start3A_70] : memref<2x10240x64xf32, #tpu.memory_space<hbm>> -> memref<1x128x64xf32, #tpu.memory_space<hbm>>
      %dma_start3A_72 = tpu.memref_squeeze %dma_start3A_71 : memref<1x128x64xf32, #tpu.memory_space<hbm>> -> memref<128x64xf32, #tpu.memory_space<hbm>>
      %dma_start3A_73 = arith.constant 0 : i32
      %dma_start3A_74 = tpu.memref_slice %arg6[%arg0, %add3A_69, %dma_start3A_73] : memref<2x10240x64xf32, #tpu.memory_space<hbm>> -> memref<1x128x64xf32, #tpu.memory_space<hbm>>
      %dma_start3A_75 = tpu.memref_squeeze %dma_start3A_74 : memref<1x128x64xf32, #tpu.memory_space<hbm>> -> memref<128x64xf32, #tpu.memory_space<hbm>>
      tpu.enqueue_dma source(%arg13 : memref<128x64xf32, #tpu.memory_space<vmem>>) target(%dma_start3A_75 : memref<128x64xf32, #tpu.memory_space<hbm>>) target_semaphore(%run_scoped3A : memref<!tpu.dma_semaphore, #tpu.memory_space<semaphore_mem>>)
      %dma_wait3A_76 = arith.constant 0 : i32
      %dma_wait3A_77 = tpu.memref_slice %arg6[%arg0, %add3A_69, %dma_wait3A_76] : memref<2x10240x64xf32, #tpu.memory_space<hbm>> -> memref<1x128x64xf32, #tpu.memory_space<hbm>>
      %dma_wait3A_78 = tpu.memref_squeeze %dma_wait3A_77 : memref<1x128x64xf32, #tpu.memory_space<hbm>> -> memref<128x64xf32, #tpu.memory_space<hbm>>
      %dma_wait3A_79 = arith.constant 0 : i32
      %dma_wait3A_80 = tpu.memref_slice %arg6[%arg0, %add3A_69, %dma_wait3A_79] : memref<2x10240x64xf32, #tpu.memory_space<hbm>> -> memref<1x128x64xf32, #tpu.memory_space<hbm>>
      %dma_wait3A_81 = tpu.memref_squeeze %dma_wait3A_80 : memref<1x128x64xf32, #tpu.memory_space<hbm>> -> memref<128x64xf32, #tpu.memory_space<hbm>>
      tpu.wait_dma2 semaphore(%run_scoped3A : memref<!tpu.dma_semaphore, #tpu.memory_space<semaphore_mem>>) src(%arg13 : memref<128x64xf32, #tpu.memory_space<vmem>>) dst(%dma_wait3A_81 : memref<128x64xf32, #tpu.memory_space<hbm>>)
      tpu.yield
    }) : () -> ()
    return
  }
}

module attributes {stable_mosaic.version = 14 : i64} {
  func.func @_matmul_body(%arg0: i32, %arg1: memref<640x128xf32, #tpu.memory_space<vmem>>, %arg2: memref<128x128xf32, #tpu.memory_space<vmem>>, %arg3: memref<640x16xf32, #tpu.memory_space<vmem>>, %arg4: memref<640x16xf32, #tpu.memory_space<vmem>>, %arg5: memref<2x640x64xf32, #tpu.memory_space<vmem>>) attributes {dimension_semantics = [#tpu.dimension_semantics<arbitrary>], iteration_bounds = array<i64: 16>, scalar_prefetch = 0 : i64, scratch_operands = 0 : i64, tpu.core_type = #tpu.core_type<tc>, window_params = [{transform_indices = @transform_0, window_bounds = array<i64: 640, 128>}, {pipeline_mode = #tpu.pipeline_mode<synchronous>, transform_indices = @transform_1, window_bounds = array<i64: 128, 128>}, {transform_indices = @transform_2, window_bounds = array<i64: 640, 16>}, {transform_indices = @transform_3, window_bounds = array<i64: 640, 16>}, {transform_indices = @transform_4, window_bounds = array<i64: 2, 640, 64>}]} {
    %get3A = arith.constant 0 : index
    %get3A_0 = arith.constant 0 : index
    %get3A_1 = vector.load %arg3[%get3A, %get3A_0] : memref<640x16xf32, #tpu.memory_space<vmem>>, vector<640x1xf32>
    %get3A_2 = arith.constant 0 : index
    %get3A_3 = arith.constant 0 : index
    %get3A_4 = vector.load %arg4[%get3A_2, %get3A_3] : memref<640x16xf32, #tpu.memory_space<vmem>>, vector<640x1xf32>
    %add3A = arith.addf %get3A_1, %get3A_4 : vector<640x1xf32>
    %add3A_5 = arith.constant 1.000000e+00 : f32
    %add3A_6 = vector.broadcast %add3A_5 : f32 to vector<640x1xf32>
    %add3A_7 = arith.addf %add3A, %add3A_6 : vector<640x1xf32>
    %rsqrt3A = math.rsqrt %add3A_7 : vector<640x1xf32>
    %get3A_8 = arith.constant 0 : index
    %get3A_9 = arith.constant 0 : index
    %get3A_10 = vector.load %arg1[%get3A_8, %get3A_9] : memref<640x128xf32, #tpu.memory_space<vmem>>, vector<640x128xf32>
    %get3A_11 = arith.constant 0 : index
    %get3A_12 = arith.constant 0 : index
    %get3A_13 = vector.load %arg2[%get3A_11, %get3A_12] : memref<128x128xf32, #tpu.memory_space<vmem>>, vector<128x128xf32>
    %dot_general3A = arith.constant dense<0.000000e+00> : vector<640x128xf32>
    %dot_general3A_14 = tpu.matmul %get3A_10, %get3A_13, %dot_general3A {dimension_numbers = #tpu.dot_dimension_numbers<[1], [0], [0], [1], [0, 0, 1, 1], [], []>, transpose_lhs_hint = false} : vector<640x128xf32>, vector<128x128xf32>, vector<640x128xf32> -> vector<640x128xf32>
    %mul3A = vector.broadcast %rsqrt3A : vector<640x1xf32> to vector<640x128xf32>
    %mul3A_15 = arith.mulf %dot_general3A_14, %mul3A : vector<640x128xf32>
    %slice3A = vector.extract_strided_slice %mul3A_15 {offsets = [0, 0], sizes = [640, 64], strides = [1, 1]} : vector<640x128xf32> to vector<640x64xf32>
    %swap3A = arith.constant 0 : index
    %swap3A_16 = arith.constant 0 : index
    %swap3A_17 = arith.constant 0 : index
    %swap3A_18 = vector.load %arg5[%swap3A, %swap3A_16, %swap3A_17] : memref<2x640x64xf32, #tpu.memory_space<vmem>>, vector<1x640x64xf32>
    %swap3A_19 = vector.shape_cast %swap3A_18 : vector<1x640x64xf32> to vector<640x64xf32>
    %swap3A_20 = vector.shape_cast %slice3A : vector<640x64xf32> to vector<1x640x64xf32>
    tpu.vector_store %arg5[%swap3A, %swap3A_16, %swap3A_17], %swap3A_20 {strides = array<i32>} : memref<2x640x64xf32, #tpu.memory_space<vmem>>, vector<1x640x64xf32>,
    %slice3A_21 = vector.extract_strided_slice %mul3A_15 {offsets = [0, 64], sizes = [640, 64], strides = [1, 1]} : vector<640x128xf32> to vector<640x64xf32>
    %swap3A_22 = arith.constant 1 : index
    %swap3A_23 = arith.constant 0 : index
    %swap3A_24 = arith.constant 0 : index
    %swap3A_25 = vector.load %arg5[%swap3A_22, %swap3A_23, %swap3A_24] : memref<2x640x64xf32, #tpu.memory_space<vmem>>, vector<1x640x64xf32>
    %swap3A_26 = vector.shape_cast %swap3A_25 : vector<1x640x64xf32> to vector<640x64xf32>
    %swap3A_27 = vector.shape_cast %slice3A_21 : vector<640x64xf32> to vector<1x640x64xf32>
    tpu.vector_store %arg5[%swap3A_22, %swap3A_23, %swap3A_24], %swap3A_27 {strides = array<i32>} : memref<2x640x64xf32, #tpu.memory_space<vmem>>, vector<1x640x64xf32>,
    return
  }
  func.func @transform_0(%arg0: i32) -> (i32, i32) {
    %c0_i32 = arith.constant 0 : i32
    %c0_i32_0 = arith.constant 0 : i32
    return %arg0, %c0_i32 : i32, i32
  }
  func.func @transform_1(%arg0: i32) -> (i32, i32) {
    %c0_i32 = arith.constant 0 : i32
    %c0_i32_0 = arith.constant 0 : i32
    %c0_i32_1 = arith.constant 0 : i32
    return %c0_i32, %c0_i32_0 : i32, i32
  }
  func.func @transform_2(%arg0: i32) -> (i32, i32) {
    %c0_i32 = arith.constant 0 : i32
    %c0_i32_0 = arith.constant 0 : i32
    return %arg0, %c0_i32 : i32, i32
  }
  func.func @transform_3(%arg0: i32) -> (i32, i32) {
    %c0_i32 = arith.constant 0 : i32
    %c0_i32_0 = arith.constant 0 : i32
    return %arg0, %c0_i32 : i32, i32
  }
  func.func @transform_4(%arg0: i32) -> (i32, i32, i32) {
    %c0_i32 = arith.constant 0 : i32
    %c0_i32_0 = arith.constant 0 : i32
    %c0_i32_1 = arith.constant 0 : i32
    return %c0_i32, %arg0, %c0_i32_0 : i32, i32, i32
  }
}

module attributes {stable_mosaic.version = 14 : i64} {
  func.func @_final_body(%arg0: i32, %arg1: memref<2x640x64xf32, #tpu.memory_space<vmem>>, %arg2: memref<2x640x64xf32, #tpu.memory_space<vmem>>, %arg3: memref<640x16xf32, #tpu.memory_space<vmem>>, %arg4: memref<640x16xf32, #tpu.memory_space<vmem>>, %arg5: memref<8x128xf32, #tpu.memory_space<vmem>>, %arg6: memref<640x128xf32, #tpu.memory_space<vmem>>) attributes {dimension_semantics = [#tpu.dimension_semantics<arbitrary>], iteration_bounds = array<i64: 16>, scalar_prefetch = 0 : i64, scratch_operands = 0 : i64, tpu.core_type = #tpu.core_type<tc>, window_params = [{transform_indices = @transform_0, window_bounds = array<i64: 2, 640, 64>}, {transform_indices = @transform_1, window_bounds = array<i64: 2, 640, 64>}, {transform_indices = @transform_2, window_bounds = array<i64: 640, 16>}, {transform_indices = @transform_3, window_bounds = array<i64: 640, 16>}, {pipeline_mode = #tpu.pipeline_mode<synchronous>, transform_indices = @transform_4, window_bounds = array<i64: 8, 128>}, {transform_indices = @transform_5, window_bounds = array<i64: 640, 128>}]} {
    %get3A = arith.constant 0 : index
    %get3A_0 = arith.constant 0 : index
    %get3A_1 = vector.load %arg3[%get3A, %get3A_0] : memref<640x16xf32, #tpu.memory_space<vmem>>, vector<640x1xf32>
    %get3A_2 = arith.constant 0 : index
    %get3A_3 = arith.constant 0 : index
    %get3A_4 = vector.load %arg4[%get3A_2, %get3A_3] : memref<640x16xf32, #tpu.memory_space<vmem>>, vector<640x1xf32>
    %add3A = arith.addf %get3A_1, %get3A_4 : vector<640x1xf32>
    %add3A_5 = arith.constant 1.000000e+00 : f32
    %add3A_6 = vector.broadcast %add3A_5 : f32 to vector<640x1xf32>
    %add3A_7 = arith.addf %add3A, %add3A_6 : vector<640x1xf32>
    %rsqrt3A = math.rsqrt %add3A_7 : vector<640x1xf32>
    %get3A_8 = arith.constant 0 : index
    %get3A_9 = arith.constant 0 : index
    %get3A_10 = arith.constant 0 : index
    %get3A_11 = vector.load %arg2[%get3A_8, %get3A_9, %get3A_10] : memref<2x640x64xf32, #tpu.memory_space<vmem>>, vector<1x640x64xf32>
    %get3A_12 = vector.shape_cast %get3A_11 : vector<1x640x64xf32> to vector<640x64xf32>
    %get3A_13 = arith.constant 1 : index
    %get3A_14 = arith.constant 0 : index
    %get3A_15 = arith.constant 0 : index
    %get3A_16 = vector.load %arg2[%get3A_13, %get3A_14, %get3A_15] : memref<2x640x64xf32, #tpu.memory_space<vmem>>, vector<1x640x64xf32>
    %get3A_17 = vector.shape_cast %get3A_16 : vector<1x640x64xf32> to vector<640x64xf32>
    %concatenate3A = tpu.concatenate %get3A_12, %get3A_17 in 1 : vector<640x64xf32>, vector<640x64xf32> -> vector<640x128xf32>
    %get3A_18 = arith.constant 0 : index
    %get3A_19 = arith.constant 0 : index
    %get3A_20 = arith.constant 0 : index
    %get3A_21 = vector.load %arg1[%get3A_18, %get3A_19, %get3A_20] : memref<2x640x64xf32, #tpu.memory_space<vmem>>, vector<1x640x64xf32>
    %get3A_22 = vector.shape_cast %get3A_21 : vector<1x640x64xf32> to vector<640x64xf32>
    %get3A_23 = arith.constant 1 : index
    %get3A_24 = arith.constant 0 : index
    %get3A_25 = arith.constant 0 : index
    %get3A_26 = vector.load %arg1[%get3A_23, %get3A_24, %get3A_25] : memref<2x640x64xf32, #tpu.memory_space<vmem>>, vector<1x640x64xf32>
    %get3A_27 = vector.shape_cast %get3A_26 : vector<1x640x64xf32> to vector<640x64xf32>
    %concatenate3A_28 = tpu.concatenate %get3A_22, %get3A_27 in 1 : vector<640x64xf32>, vector<640x64xf32> -> vector<640x128xf32>
    %add3A_29 = arith.addf %concatenate3A_28, %concatenate3A : vector<640x128xf32>
    %mul3A = vector.broadcast %rsqrt3A : vector<640x1xf32> to vector<640x128xf32>
    %mul3A_30 = arith.mulf %add3A_29, %mul3A : vector<640x128xf32>
    %get3A_31 = arith.constant 0 : index
    %get3A_32 = arith.constant 0 : index
    %get3A_33 = vector.load %arg5[%get3A_31, %get3A_32] : memref<8x128xf32, #tpu.memory_space<vmem>>, vector<1x128xf32>
    %add3A_34 = vector.broadcast %get3A_33 : vector<1x128xf32> to vector<640x128xf32>
    %add3A_35 = arith.addf %mul3A_30, %add3A_34 : vector<640x128xf32>
    %reduce_max3A = arith.constant dense<0xFF800000> : vector<640xf32>
    %reduce_max3A_36 = vector.multi_reduction <maximumf>, %add3A_35, %reduce_max3A [1] : vector<640x128xf32> to vector<640xf32>
    %broadcast_in_dim3A = vector.shape_cast %reduce_max3A_36 : vector<640xf32> to vector<640x1xf32>
    %sub3A = vector.broadcast %broadcast_in_dim3A : vector<640x1xf32> to vector<640x128xf32>
    %sub3A_37 = arith.subf %add3A_35, %sub3A : vector<640x128xf32>
    %exp3A = math.exp %sub3A_37 : vector<640x128xf32>
    %reduce_sum3A = arith.constant dense<0.000000e+00> : vector<640xf32>
    %reduce_sum3A_38 = vector.multi_reduction <add>, %exp3A, %reduce_sum3A [1] : vector<640x128xf32> to vector<640xf32>
    %broadcast_in_dim3A_39 = vector.shape_cast %reduce_sum3A_38 : vector<640xf32> to vector<640x1xf32>
    %sub3A_40 = vector.broadcast %broadcast_in_dim3A : vector<640x1xf32> to vector<640x128xf32>
    %sub3A_41 = arith.subf %add3A_35, %sub3A_40 : vector<640x128xf32>
    %log3A = math.log %broadcast_in_dim3A_39 : vector<640x1xf32>
    %sub3A_42 = vector.broadcast %log3A : vector<640x1xf32> to vector<640x128xf32>
    %sub3A_43 = arith.subf %sub3A_41, %sub3A_42 : vector<640x128xf32>
    %swap3A = arith.constant 0 : index
    %swap3A_44 = arith.constant 0 : index
    %swap3A_45 = vector.load %arg6[%swap3A, %swap3A_44] : memref<640x128xf32, #tpu.memory_space<vmem>>, vector<640x128xf32>
    tpu.vector_store %arg6[%swap3A, %swap3A_44], %sub3A_43 {strides = array<i32>} : memref<640x128xf32, #tpu.memory_space<vmem>>, vector<640x128xf32>,
    return
  }
  func.func @transform_0(%arg0: i32) -> (i32, i32, i32) {
    %c0_i32 = arith.constant 0 : i32
    %c0_i32_0 = arith.constant 0 : i32
    %c0_i32_1 = arith.constant 0 : i32
    return %c0_i32, %arg0, %c0_i32_0 : i32, i32, i32
  }
  func.func @transform_1(%arg0: i32) -> (i32, i32, i32) {
    %c0_i32 = arith.constant 0 : i32
    %c0_i32_0 = arith.constant 0 : i32
    %c0_i32_1 = arith.constant 0 : i32
    return %c0_i32, %arg0, %c0_i32_0 : i32, i32, i32
  }
  func.func @transform_2(%arg0: i32) -> (i32, i32) {
    %c0_i32 = arith.constant 0 : i32
    %c0_i32_0 = arith.constant 0 : i32
    return %arg0, %c0_i32 : i32, i32
  }
  func.func @transform_3(%arg0: i32) -> (i32, i32) {
    %c0_i32 = arith.constant 0 : i32
    %c0_i32_0 = arith.constant 0 : i32
    return %arg0, %c0_i32 : i32, i32
  }
  func.func @transform_4(%arg0: i32) -> (i32, i32) {
    %c0_i32 = arith.constant 0 : i32
    %c0_i32_0 = arith.constant 0 : i32
    %c0_i32_1 = arith.constant 0 : i32
    return %c0_i32, %c0_i32_0 : i32, i32
  }
  func.func @transform_5(%arg0: i32) -> (i32, i32) {
    %c0_i32 = arith.constant 0 : i32
    %c0_i32_0 = arith.constant 0 : i32
    return %arg0, %c0_i32 : i32, i32
  }
}

</mosaic_0001>

<sc_bundles>
// kernel: kernel.6.cloned.1.call-start
scs
__scs_entry_jumppad:
0x0: {  	(pc) =	sbr.rel $0x88, $3  }
0x1: {  	(tag) =	ssettag $0x0;
	lr =	simm.s32 $0x1  }
0x2: {  	[smem:$0x3F9D] =	sst lr;
	_ =	strace $0xD0000000  }
0x3: {  	_ = 	snop  }
0x4: {  	_ = 	snop  }
0x5: {  	_ = 	snop  }
0x6: {  	_ = 	snop  }
0x7: {  	_ = 	snop  }
__scs_overlays_trampoline_lowered:
0x8: {  	[smem:$0x3FAC] =	sst s0  }
0x9: {  	[smem:$0x3FAD] =	sst s1  }
0xa: {  	[smem:$0x3FAE] =	sst s2  }
0xb: {  	[smem:$0x3FAF] =	sst s3  }
0xc: {  	[smem:$0x3FB0] =	sst s4  }
0xd: {  	[smem:$0x3FB1] =	sst s5  }
0xe: {  	[smem:$0x3FB2] =	sst s6  }
0xf: {  	[smem:$0x3FB3] =	sst s7  }
0x10: {  	[smem:$0x3FB4] =	sst s8  }
0x11: {  	[smem:$0x3FB5] =	sst s9;
	s0 =	simm.s32 @!p0 $0x0  }
0x12: {  	s1 =	sld [smem:$0x3F9B];
	s0 =	simm.s32 @p0 $0x1  }
0x13: {  	[smem:$0x3FB6] =	sst s0;
	s0 =	simm.s32 @!p1 $0x0  }
0x14: {  	s2 =	sld [smem:$0x3F9A];
	s0 =	simm.s32 @p1 $0x1  }
0x15: {  	[smem:$0x3FB7] =	sst s0;
	s0 =	simm.s32 @!p2 $0x0  }
0x16: {  	s3 =	sld [smem:$0x3FDB];
	s0 =	simm.s32 @p2 $0x1  }
0x17: {  	s4 =	simm.s32 $0x1BF5;
	[smem:$0x3FB9] =	sst s0  }
0x18: {  	s0 =	sld [smem:$0x3F9C];
	_ =	swait.ge [sflag:s4], $0x0  }
0x19: {  	s7 =	sld [smem:$0x3F9D]  }
0x1a: {  	s8 =	sadd.s32 $0xFFFFE003, lr  }
0x1b: {  	s9 =	sadd.s32 $0xFFFFFEF7, lr;
	s5 =	simm.s32 $0xFFFFFFFF;
	p2 =	slt.u32 s8, $0xFFFFF086  }
0x1c: {  	p1 =	slt.u32 s9, $0xF7A;
	s5 =	simm.s32 @!p2 $0x0  }
0x1d: {  	s5 =	simm.s32 @p1 $0x1;
	p0 =	seq.s32 s7, s2  }
0x1e: {  	s7 =	smul.u32 @!p0 $0xF7A, s2;
	p2 =	seq.s32 @!p0 s5, $0x0  }
0x1f: {  	s9 =	smul.u32 $0xF7A, s1;
	s8 =	simm.s32 @!p0 $0x1BF5;
	p2 =	por !p2, p0  }
0x20: {  	[sflag:s8] =	ssyncset.s32 @!p0 $0xFFFFF086;
	s6 =	sadd.s32 @!p0 s3, s7;
	s7 =	simm.s32 @!p0 $0x108  }
0x21: {  	s3 =	sadd.s32 s3, s9;
	s6 =	sadd.s32 @!p0 $0x88, s6;
	s7 =	simm.s32 @p2 $0x1082  }
0x22: {  	[simem:s7], [sflag:s8] =	dma.local @!p0 [hbm:s6], $0xF7A  }
0x23: {  	s9 =	sor.u32 $0xD0000000, s2;
	s6 =	simm.s32 $0x108;
	_ =	swait.ge @!p0 [sflag:s8], $0x0  }
0x24: {  	s3 =	sadd.s32 $0x88, s3;
	s6 =	simm.s32 @!p1 $0x1082;
	[sflag:s4] =	ssyncset.s32 $0xFFFFF086  }
0x25: {  	[simem:s6], [sflag:s4] =	dma.local [hbm:s3], $0xF7A  }
0x26: {  	[smem:$0x3F9D] =	sst s1;
	(tag) =	ssettag s2;
	_ =	strace s9  }
0x27: {  	s1 =	sld [smem:$0x3FAD]  }
0x28: {  	s2 =	sld [smem:$0x3FAE]  }
0x29: {  	s4 =	sld [smem:$0x3FB0]  }
0x2a: {  	p0 =	seq.s32 s5, $0x0;
	s5 =	sld [smem:$0x3FB1]  }
0x2b: {  	s6 =	sld [smem:$0x3FB2]  }
0x2c: {  	s7 =	sld [smem:$0x3FB3]  }
0x2d: {  	s3 =	simm.s32 $0x108;
	s8 =	sld [smem:$0x3FB4]  }
0x2e: {  	s3 =	simm.s32 @!p0 $0x1082;
	s9 =	sld [smem:$0x3FB5]  }
0x2f: {  	lr =	sadd.s32 s0, s3;
	s0 =	sld [smem:$0x3FAC]  }
0x30: {  	s3 =	sld [smem:$0x3FAF]  }
0x31: {  	[smem:$0x3FB8] =	sst s10  }
0x32: {  	s10 =	sld [smem:$0x3FB6];
	_ =	sdelay $0x3  }
0x33: {  	p0 =	seq.s32 s10, $0x1;
	s10 =	sld [smem:$0x3FB8];
	_ =	sdelay $0x3  }
0x34: {  	[smem:$0x3FB8] =	sst s10  }
0x35: {  	s10 =	sld [smem:$0x3FB7];
	_ =	sdelay $0x3  }
0x36: {  	p1 =	seq.s32 s10, $0x1;
	s10 =	sld [smem:$0x3FB8];
	_ =	sdelay $0x3  }
0x37: {  	[smem:$0x3FB8] =	sst s10  }
0x38: {  	s10 =	sld [smem:$0x3FB9]  }
0x39: {  	_ = 	snop;
	(pc) =	sbr.ind lr, $3  }
0x3a: {  	_ = 	snop  }
0x3b: {  	_ = 	snop  }
0x3c: {  	p2 =	seq.s32 s10, $0x1;
	s10 =	sld [smem:$0x3FB8]  }
0x3d: {  	_ =	shalt  }
0x3e: {  	_ =	shalt  }
0x3f: {  	_ =	shalt  }
0x40: {  	_ =	shalt  }
0x41: {  	_ =	shalt  }
0x42: {  	_ =	shalt  }
0x43: {  	_ =	shalt  }
0x44: {  	_ =	shalt  }
0x45: {  	_ =	shalt  }
0x46: {  	_ =	shalt  }
0x47: {  	_ =	shalt  }
0x48: {  	_ =	shalt  }
0x49: {  	_ =	shalt  }
0x4a: {  	_ =	shalt  }
0x4b: {  	_ =	shalt  }
0x4c: {  	_ =	shalt  }
0x4d: {  	_ =	shalt  }
0x4e: {  	_ =	shalt  }
0x4f: {  	_ =	shalt  }
0x50: {  	_ =	shalt  }
0x51: {  	_ =	shalt  }
0x52: {  	_ =	shalt  }
0x53: {  	_ =	shalt  }
0x54: {  	_ =	shalt  }
0x55: {  	_ =	shalt  }
0x56: {  	_ =	shalt  }
0x57: {  	_ =	shalt  }
0x58: {  	_ =	shalt  }
0x59: {  	_ =	shalt  }
0x5a: {  	_ =	shalt  }
0x5b: {  	_ =	shalt  }
0x5c: {  	_ =	shalt  }
0x5d: {  	_ =	shalt  }
0x5e: {  	_ =	shalt  }
0x5f: {  	_ =	shalt  }
0x60: {  	_ =	shalt  }
0x61: {  	_ =	shalt  }
0x62: {  	_ =	shalt  }
0x63: {  	_ =	shalt  }
0x64: {  	_ =	shalt  }
0x65: {  	_ =	shalt  }
0x66: {  	_ =	shalt  }
0x67: {  	_ =	shalt  }
0x68: {  	_ =	shalt  }
0x69: {  	_ =	shalt  }
0x6a: {  	_ =	shalt  }
0x6b: {  	_ =	shalt  }
0x6c: {  	_ =	shalt  }
0x6d: {  	_ =	shalt  }
0x6e: {  	_ =	shalt  }
0x6f: {  	_ =	shalt  }
0x70: {  	_ =	shalt  }
0x71: {  	_ =	shalt  }
0x72: {  	_ =	shalt  }
0x73: {  	_ =	shalt  }
0x74: {  	_ =	shalt  }
0x75: {  	_ =	shalt  }
0x76: {  	_ =	shalt  }
0x77: {  	_ =	shalt  }
0x78: {  	_ =	shalt  }
0x79: {  	_ =	shalt  }
0x7a: {  	_ =	shalt  }
0x7b: {  	_ =	shalt  }
0x7c: {  	_ =	shalt  }
0x7d: {  	_ =	shalt  }
0x7e: {  	_ =	shalt  }
0x7f: {  	_ =	shalt  }
0x80: {  	_ =	shalt  }
0x81: {  	_ =	shalt  }
0x82: {  	_ =	shalt  }
0x83: {  	_ =	shalt  }
0x84: {  	_ =	shalt  }
0x85: {  	_ =	shalt  }
0x86: {  	_ =	shalt  }
0x87: {  	_ =	shalt  }
.Lfunc_end0:
.L_simem_size_0:
called_computation_lowered:
.L_overlay_start_0:
0x88: {  	s2 =	sld [smem:$0x3FD9]  }
0x89: {  	s3 =	sld [smem:$0x3FFE];
	_ =	sdelay $0x1  }
0x8a: {  	s1 =	srdreg.scid  }
0x8b: {  	s0 =	sand.u32 $0x1, s1  }
0x8c: {  	s17 =	sshll.u32 s0, $0xA;
	s2 =	sadd.s32 s3, s2  }
0x8d: {  	s2 =	sadd.s32 s2, s17  }
0x8e: {  	[smem:$0x3FC4] =	sst s2  }
0x8f: {  	_ = 	snop  }
0x90: {  	s2 =	sld [smem:$0x3FD0];
	(tm) =	ssettm $0x1  }
0x91: {  	s18 =	sld [smem:$0x3FFB];
	_ =	sdelay $0x3  }
0x92: {  	_ =	strace s18  }
0x93: {  	s3 =	sld [smem:$0x3FFC];
	_ =	sdelay $0x3  }
0x94: {  	_ =	strace s3  }
0x95: {  	s3 =	sld [smem:$0x3FFD];
	_ =	sdelay $0x3  }
0x96: {  	_ =	strace s3  }
0x97: {  	_ =	strace $0x8FFFFFFF  }
0x98: {  	s19 =	sld [smem:$0x3FDB];
	_ =	sdelay $0x1  }
0x99: {  	s4 =	simm.s32 $_scs_section_size  }
0x9a: {  	s5 =	simm.s32 $_size__tile_overlayer_lowered;
	s6 =	simm.s32 $_tile_overlayer_lowered  }
0x9b: {  	s22 =	simm.s32 $0x1BFF;
	s21 =	sshll.u32 s6, $0x1;
	s3 =	sadd.s32 s4, s19  }
0x9c: {  	s7 =	simm.s32 $0x0;
	s20 =	sshll.u32 s5, $0x1;
	s5 =	sadd.s32 s21, s3  }
0x9d: {  	[timem:s7], [sflag:s22] =	dma.local [hbm:s5], s20  }
0x9e: {  	_ =	swait.ge [sflag:s22], s20  }
0x9f: {  	s4 =	ssub.s32 $0x0, s20;
	[sflag:s22] =	ssyncset.done $0x0  }
0xa0: {  	[sflag:s22] =	ssyncadd.s32 s4;
	_ =	sdelay $0x1  }
0xa1: {  	s23 =	simm.s32 $0x1B8B  }
0xa2: {  	_ =	swait.ge [sflag:s23], $0x1  }
0xa3: {  	[sflag:s23] =	ssyncset.done $0x0  }
0xa4: {  	s25 =	simm.s32 $0x1B8E;
	s24 =	sld [smem:$0x3FFE];
	[sflag:s23] =	ssyncadd.s32 $0xFFFFFFFF  }
0xa5: {  	s26 =	simm.s32 $execute0_lowered;
	[smem:$0x3FD2] =	sst s25  }
0xa6: {  	s5 =	sshll.u32 s26, $0x1;
	_ =	strace $0x80000046;
	[dreg:$0x1] =	wrdreg $0xFFFFFFFF  }
0xa7: {  	s28 =	simm.s32 $_size_execute0_lowered;
	s3 =	sadd.s32 s3, s5;
	[dreg:$0x0] =	wrdreg $0x0  }
0xa8: {  	s5 =	sshll.u32 s28, $0x1;
	[dreg:$0x2] =	wrdreg s3  }
0xa9: {  	[dreg:$0x3] =	wrdreg s5  }
0xaa: {  	[dreg:$0x4] =	wrdreg $0xC0  }
0xab: {  	_ =	task [dreg:s7], $0x5FFFF  }
0xac: {  	[dreg:$0x1] =	wrdreg $0xFFFFFFFF  }
0xad: {  	[dreg:$0x0] =	wrdreg $0x60  }
0xae: {  	[dreg:$0x2] =	wrdreg s2  }
0xaf: {  	[dreg:$0x3] =	wrdreg s24  }
0xb0: {  	[dreg:$0x4] =	wrdreg $0x58000  }
0xb1: {  	[dreg:$0x5] =	wrdreg $0x9  }
0xb2: {  	_ =	task.clear_ibuf [dreg:s7], $0x6FFFF;
	_ =	strace $0x90000046  }
0xb3: {  	s29 =	simm.s32 $0x9;
	_ =	strace $0x80000048  }
0xb4: {  	_ =	swait.ge [sflag:s29], $0x1  }
0xb5: {  	[sflag:s29] =	ssyncadd.s32 $0xFFFFFFFF  }
0xb6: {  	_ =	strace $0x90000048  }
0xb7: {  	_ =	sfence  }
0xb8: {  	s30 =	sld [smem:$0x0];
	_ =	sdelay $0x2  }
0xb9: {  	s31 =	sshll.u32 s1, $0xD;
	s1 =	sshrl.u32 s1, $0x2  }
0xba: {  	s3 =	sand.u32 $0x4000, s31;
	s1 =	sadd.s32 s1, s30  }
0xbb: {  	s0 =	sor.u32 s3, s0;
	s1 =	sshll.u32 s1, $0x11  }
0xbc: {  	s0 =	sor.u32 s1, s0  }
0xbd: {  	s0 =	sadd.s32 $0x8F2B, s0  }
0xbe: {  	[sflag:s0] =	ssyncadd.remote.s32 $0x1  }
0xbf: {  	_ =	sfence.sel $0xFFFF  }
0xc0: {  	[dreg:$0x0] =	wrdreg $0xFFFFFFFF;
	(pc) =	sbr.abs _section_cstart, $3  }
0xc1: {  	[dreg:$0x1] =	wrdreg $0xFFFFFFFF  }
0xc2: {  	_ =	task.clear_ibuf [dreg:s7], $0x2FFFF;
	_ =	strace $0x9FFFFFFF  }
0xc3: {  	(tm) =	ssettm $0x7FFFFFFF  }
tec
execute0_lowered:
.L_overlay_start_1:
0x0: {  	(tag) =	ssettag $0x1  }
0x1: {  	s7 =	rddreg [dreg:$0x0]  }
0x2: {  	s6 =	rddreg [dreg:$0x1]  }
0x3: {  	s2 =	rddreg [dreg:$0x2]  }
0x4: {  	s0 =	rddreg [dreg:$0x3];
	s4 =	srdreg.scid  }
0x5: {  	s1 =	stileid.u32;
	s3 =	simm.s32 $0x0;
	s13 =	simm.s32 $0x80  }
0x6: {  	s14 =	simm.s32 $0x100;
	s15 =	simm.s32 $0x180;
	s16 =	simm.s32 $0x1  }
0x7: {  	s17 =	simm.s32 $0x2;
	s18 =	simm.s32 $0x3;
	s19 =	simm.s32 $0x4  }
0x8: {  	s20 =	simm.s32 $0x0;
	s5 =	sand.u32 $0x1, s4;
	s8 =	smul.u32 $0x2800, s1  }
0x9: {  	[smem:$0x7FF] =	sst s3;
	s4 =	sadd.s32 $0x1000, s6;
	s10 =	sshll.u32 s1, $0x1  }
0xa: {  	s9 =	smul.u32 $0x28000, s5;
	s11 =	ssub.s32 $0x2, s5;
	s5 =	sor.u32 s5, s10  }
0xb: {  	_ =	strace $0x80000047;
	s31 =	sshrl.u32 s11, $0x1;
	s12 =	smul.u32 $0x500, s5  }
0xc: {  	s5 =	sadd.s32 $0xE00, s6;
	s9 =	sadd.s32 s8, s9;
	s10 =	ssub.s32 s11, s31  }
0xd: {  	s11 =	simm.s32 $0x5;
	s9 =	sshrl.u32 s9, $0x3;
	s7 =	sadd.s32 s7, s12  }
0xe: {  	s12 =	simm.s32 $0x2800;
	s9 =	sadd.s32 s9, s6;
	s6 =	sadd.s32 s8, s2  }
0xf: {  	s8 =	sadd.s32 $0x1600, s9;
	s9 =	smax.u32 s10, $0x1;
	s10 =	simm.s32 $0x3000  }
.LBB2_1:
0x10: {  	[tilespmem:s10], [sflag:$0x5] =	stream.linear.gather [hbm4b:s4+s3], $0x2800, $0x38;
	[tilespmem:$0x8000] =	vst v63  }
0x11: {  	_ =	swait.ge [sflag:s11], $0x2800  }
0x12: {  	[sflag:s11] =	ssyncset.done $0x0  }
0x13: {  	[sflag:s11] =	ssyncadd.s32 $0xFFFFD800  }
0x14: {  	[spmem:s6] =	stream.linear.scatter [tilespmem:s10], [sflag:$0x5], $0x2800, $0x38;
	[tilespmem:$0x8000] =	vst v63  }
0x15: {  	_ =	swait.ge [sflag:s11], $0x2800  }
0x16: {  	[sflag:s11] =	ssyncset.done $0x0  }
0x17: {  	[sflag:s11] =	ssyncadd.s32 $0xFFFFD800  }
0x18: {  	[tilespmem:s12], [sflag:$0x5] =	stream.linear.gather [hbm4b:s5+s3], $0x800, $0x38;
	[tilespmem:$0x8000] =	vst v63  }
0x19: {  	_ =	swait.ge [sflag:s11], $0x800  }
0x1a: {  	[sflag:s11] =	ssyncset.done $0x0  }
0x1b: {  	[sflag:s11] =	ssyncadd.s32 $0xFFFFF800  }
0x1c: {  	[tilespmem:s3], [sflag:$0x5] =	stream.linear.gather [hbm4b:s7+s3], $0x2800, $0x38;
	[tilespmem:$0x8000] =	vst v63  }
0x1d: {  	_ =	swait.ge [sflag:s11], $0x2800  }
0x1e: {  	[sflag:s11] =	ssyncset.done $0x0  }
0x1f: {  	[sflag:s11] =	ssyncadd.s32 $0xFFFFD800  }
0x20: {  	[bflag:$0x0] =	sbarrier.arrive $0xFFFF  }
0x21: {  	[spmem:s2] =	stream.indirect.scatter.add.f32 [tilespmem:s12], [sflag:$0x1], $0x10, s3, s13, $0xb8;
	[tilespmem:$0x8000] =	vst v63  }
0x22: {  	_ = 	snop  }
0x23: {  	[spmem:s2] =	stream.indirect.scatter.add.f32 [tilespmem:s12], [sflag:$0x2], $0x10, s13, s13, $0xb8;
	[tilespmem:$0x8000] =	vst v63  }
0x24: {  	_ = 	snop  }
0x25: {  	[spmem:s2] =	stream.indirect.scatter.add.f32 [tilespmem:s12], [sflag:$0x3], $0x10, s14, s13, $0xb8;
	[tilespmem:$0x8000] =	vst v63  }
0x26: {  	_ = 	snop  }
0x27: {  	[spmem:s2] =	stream.indirect.scatter.add.f32 [tilespmem:s12], [sflag:$0x4], $0x10, s15, s13, $0xb8;
	[tilespmem:$0x8000] =	vst v63  }
0x28: {  	_ =	swait.ge [sflag:s16], $0x800  }
0x29: {  	[sflag:s16] =	ssyncset.done $0x0  }
0x2a: {  	s21 =	simm.s32 $0x200;
	[sflag:s16] =	ssyncadd.s32 $0xFFFFF800  }
0x2b: {  	[spmem:s2] =	stream.indirect.scatter.add.f32 [tilespmem:s12], [sflag:$0x1], $0x10, s21, s13, $0xb8;
	[tilespmem:$0x8000] =	vst v63  }
0x2c: {  	_ =	swait.ge [sflag:s17], $0x800  }
0x2d: {  	[sflag:s17] =	ssyncset.done $0x0  }
0x2e: {  	s30 =	simm.s32 $0x280;
	[sflag:s17] =	ssyncadd.s32 $0xFFFFF800  }
0x2f: {  	[spmem:s2] =	stream.indirect.scatter.add.f32 [tilespmem:s12], [sflag:$0x2], $0x10, s30, s13, $0xb8;
	[tilespmem:$0x8000] =	vst v63  }
0x30: {  	_ =	swait.ge [sflag:s18], $0x800  }
0x31: {  	[sflag:s18] =	ssyncset.done $0x0  }
0x32: {  	s31 =	simm.s32 $0x300;
	[sflag:s18] =	ssyncadd.s32 $0xFFFFF800  }
0x33: {  	[spmem:s2] =	stream.indirect.scatter.add.f32 [tilespmem:s12], [sflag:$0x3], $0x10, s31, s13, $0xb8;
	[tilespmem:$0x8000] =	vst v63  }
0x34: {  	_ =	swait.ge [sflag:s19], $0x800  }
0x35: {  	[sflag:s19] =	ssyncset.done $0x0  }
0x36: {  	s22 =	simm.s32 $0x380;
	s21 =	simm.s32 $0xFFFF7000;
	[sflag:s19] =	ssyncadd.s32 $0xFFFFF800  }
.LBB2_2:
0x37: {  	[spmem:s2] =	stream.indirect.scatter.add.f32 [tilespmem:s12], [sflag:$0x4], $0x10, s22, s13, $0xb8;
	[tilespmem:$0x8000] =	vst v63  }
0x38: {  	s22 =	smov.u32 s21  }
0x39: {  	p0 =	sne.s32 s21, $0xFFFFF800;
	s21 =	sadd.s32 $0x800, s21;
	_ =	swait.ge [sflag:s16], $0x800  }
0x3a: {  	s22 =	sshra.s32 s22, $0x2;
	[sflag:s16] =	ssyncset.done $0x0  }
0x3b: {  	s23 =	sadd.s32 $0x2800, s22;
	[sflag:s16] =	ssyncadd.s32 $0xFFFFF800  }
0x3c: {  	[spmem:s2] =	stream.indirect.scatter.add.f32 [tilespmem:s12], [sflag:$0x1], $0x10, s23, s13, $0xb8;
	[tilespmem:$0x8000] =	vst v63  }
0x3d: {  	_ =	swait.ge [sflag:s17], $0x800  }
0x3e: {  	[sflag:s17] =	ssyncset.done $0x0  }
0x3f: {  	s23 =	sadd.s32 $0x2880, s22;
	[sflag:s17] =	ssyncadd.s32 $0xFFFFF800  }
0x40: {  	[spmem:s2] =	stream.indirect.scatter.add.f32 [tilespmem:s12], [sflag:$0x2], $0x10, s23, s13, $0xb8;
	[tilespmem:$0x8000] =	vst v63  }
0x41: {  	_ =	swait.ge [sflag:s18], $0x800  }
0x42: {  	[sflag:s18] =	ssyncset.done $0x0  }
.Ltmp0:
0x43: {  	s23 =	sadd.s32 $0x2900, s22;
	[sflag:s18] =	ssyncadd.s32 $0xFFFFF800;
	(pc) =	sbr.rel @p0 .LBB2_2-.Ltmp0, $4  }
0x44: {  	[spmem:s2] =	stream.indirect.scatter.add.f32 [tilespmem:s12], [sflag:$0x3], $0x10, s23, s13, $0xb8;
	[tilespmem:$0x8000] =	vst v63  }
0x45: {  	_ =	swait.ge [sflag:s19], $0x800  }
0x46: {  	[sflag:s19] =	ssyncset.done $0x0  }
0x47: {  	s22 =	sadd.s32 $0x2980, s22;
	[sflag:s19] =	ssyncadd.s32 $0xFFFFF800  }
0x48: {  	[spmem:s2] =	stream.indirect.scatter.add.f32 [tilespmem:s12], [sflag:$0x4], $0x10, s22, s13, $0xb8;
	[tilespmem:$0x8000] =	vst v63  }
0x49: {  	_ =	swait.ge [sflag:s16], $0x800  }
0x4a: {  	[sflag:s16] =	ssyncset.done $0x0  }
0x4b: {  	[sflag:s16] =	ssyncadd.s32 $0xFFFFF800  }
0x4c: {  	_ =	swait.ge [sflag:s17], $0x800  }
0x4d: {  	[sflag:s17] =	ssyncset.done $0x0  }
0x4e: {  	[sflag:s17] =	ssyncadd.s32 $0xFFFFF800  }
0x4f: {  	_ =	swait.ge [sflag:s18], $0x800  }
0x50: {  	[sflag:s18] =	ssyncset.done $0x0  }
0x51: {  	[sflag:s18] =	ssyncadd.s32 $0xFFFFF800  }
0x52: {  	_ =	swait.ge [sflag:s19], $0x800  }
0x53: {  	[sflag:s19] =	ssyncset.done $0x0  }
0x54: {  	[sflag:s19] =	ssyncadd.s32 $0xFFFFF800  }
0x55: {  	[bflag:$0x0] =	sbarrier.arrive $0xFFFF  }
0x56: {  	[tilespmem:s10], [sflag:$0x5] =	stream.linear.gather [spmem:s6], $0x2800, $0x38;
	[tilespmem:$0x8000] =	vst v63  }
0x57: {  	s20 =	sadd.s32 $0x1, s20;
	_ =	swait.ge [sflag:s11], $0x2800  }
0x58: {  	p0 =	sne.s32 s20, s9;
	[sflag:s11] =	ssyncset.done $0x0  }
.Ltmp1:
0x59: {  	[sflag:s11] =	ssyncadd.s32 $0xFFFFD800;
	(pc) =	sbr.rel @p0 .LBB2_1-.Ltmp1, $4  }
0x5a: {  	[hbm4b:s8+s3] =	stream.linear.scatter [tilespmem:s10], [sflag:$0x5], $0x2800, $0x38;
	[tilespmem:$0x8000] =	vst v63  }
0x5b: {  	_ =	swait.ge [sflag:s11], $0x2800  }
0x5c: {  	[sflag:s11] =	ssyncset.done $0x0  }
0x5d: {  	[sflag:s11] =	ssyncadd.s32 $0xFFFFD800  }
0x5e: {  	_ =	sfence.sel $0x180000  }
0x5f: {  	[bflag:$0x0] =	sbarrier.arrive $0xFFFF  }
0x60: {  	p0 =	sne.s32 s1, $0x0;
	_ =	strace $0x90000047  }
0x61: {  	s0 =	sadd.s32 @!p0 $0x100000, s0;
	[bflag:$0x2] =	sbarrier.arrive $0xFFFF  }
0x62: {  	[sflag:s0] =	ssyncadd.tile.s32 @!p0 $0x1;
	_ =	shalt  }
.Lfunc_end2:
_tile_overlayer_lowered:
.L_overlay_start_2:
0x63: {  	(tag) =	ssettag $0x2  }
0x64: {  	s0 =	rddreg [dreg:$0x0];
	s2 =	stileid.u32  }
0x65: {  	s1 =	rddreg [dreg:$0x1];
	p0 =	sne.s32 s2, $0x0  }
0x66: {  	s3 =	rddreg [dreg:$0x2];
	[bflag:$0x3] =	sbarrier.arrive $0xFFFF;
	s2 =	simm.s32 @!p0 $0x1C05  }
0x67: {  	[timem:s3], [sflag:s2] =	dma.local @!p0 [hbm:s0], s1  }
0x68: {  	s0 =	simm.s32 @!p0 $0x5  }
0x69: {  	_ =	swait.ge @!p0 [sflag:s0], s1  }
0x6a: {  	s1 =	ssub.s32 @!p0 $0x0, s1;
	[sflag:s0] =	ssyncset.done @!p0 $0x0  }
0x6b: {  	[sflag:s0] =	ssyncadd.s32 @!p0 s1  }
0x6c: {  	[bflag:$0x3] =	sbarrier.arrive $0xFFFF  }
0x6d: {  	_ =	shalt  }

// kernel: kernel.9.cloned.1.call-start
scs
__scs_entry_jumppad:
0x0: {  	(pc) =	sbr.rel $0x88, $3  }
0x1: {  	(tag) =	ssettag $0x0;
	lr =	simm.s32 $0x1  }
0x2: {  	[smem:$0x3F9D] =	sst lr;
	_ =	strace $0xD0000000  }
0x3: {  	_ = 	snop  }
0x4: {  	_ = 	snop  }
0x5: {  	_ = 	snop  }
0x6: {  	_ = 	snop  }
0x7: {  	_ = 	snop  }
__scs_overlays_trampoline_lowered:
0x8: {  	[smem:$0x3FAC] =	sst s0  }
0x9: {  	[smem:$0x3FAD] =	sst s1  }
0xa: {  	[smem:$0x3FAE] =	sst s2  }
0xb: {  	[smem:$0x3FAF] =	sst s3  }
0xc: {  	[smem:$0x3FB0] =	sst s4  }
0xd: {  	[smem:$0x3FB1] =	sst s5  }
0xe: {  	[smem:$0x3FB2] =	sst s6  }
0xf: {  	[smem:$0x3FB3] =	sst s7  }
0x10: {  	[smem:$0x3FB4] =	sst s8  }
0x11: {  	[smem:$0x3FB5] =	sst s9;
	s0 =	simm.s32 @!p0 $0x0  }
0x12: {  	s1 =	sld [smem:$0x3F9B];
	s0 =	simm.s32 @p0 $0x1  }
0x13: {  	[smem:$0x3FB6] =	sst s0;
	s0 =	simm.s32 @!p1 $0x0  }
0x14: {  	s2 =	sld [smem:$0x3F9A];
	s0 =	simm.s32 @p1 $0x1  }
0x15: {  	[smem:$0x3FB7] =	sst s0;
	s0 =	simm.s32 @!p2 $0x0  }
0x16: {  	s3 =	sld [smem:$0x3FDB];
	s0 =	simm.s32 @p2 $0x1  }
0x17: {  	s4 =	simm.s32 $0x1BF5;
	[smem:$0x3FB9] =	sst s0  }
0x18: {  	s0 =	sld [smem:$0x3F9C];
	_ =	swait.ge [sflag:s4], $0x0  }
0x19: {  	s7 =	sld [smem:$0x3F9D]  }
0x1a: {  	s8 =	sadd.s32 $0xFFFFE003, lr  }
0x1b: {  	s9 =	sadd.s32 $0xFFFFFEF7, lr;
	s5 =	simm.s32 $0xFFFFFFFF;
	p2 =	slt.u32 s8, $0xFFFFF086  }
0x1c: {  	p1 =	slt.u32 s9, $0xF7A;
	s5 =	simm.s32 @!p2 $0x0  }
0x1d: {  	s5 =	simm.s32 @p1 $0x1;
	p0 =	seq.s32 s7, s2  }
0x1e: {  	s7 =	smul.u32 @!p0 $0xF7A, s2;
	p2 =	seq.s32 @!p0 s5, $0x0  }
0x1f: {  	s9 =	smul.u32 $0xF7A, s1;
	s8 =	simm.s32 @!p0 $0x1BF5;
	p2 =	por !p2, p0  }
0x20: {  	[sflag:s8] =	ssyncset.s32 @!p0 $0xFFFFF086;
	s6 =	sadd.s32 @!p0 s3, s7;
	s7 =	simm.s32 @!p0 $0x108  }
0x21: {  	s3 =	sadd.s32 s3, s9;
	s6 =	sadd.s32 @!p0 $0x88, s6;
	s7 =	simm.s32 @p2 $0x1082  }
0x22: {  	[simem:s7], [sflag:s8] =	dma.local @!p0 [hbm:s6], $0xF7A  }
0x23: {  	s9 =	sor.u32 $0xD0000000, s2;
	s6 =	simm.s32 $0x108;
	_ =	swait.ge @!p0 [sflag:s8], $0x0  }
0x24: {  	s3 =	sadd.s32 $0x88, s3;
	s6 =	simm.s32 @!p1 $0x1082;
	[sflag:s4] =	ssyncset.s32 $0xFFFFF086  }
0x25: {  	[simem:s6], [sflag:s4] =	dma.local [hbm:s3], $0xF7A  }
0x26: {  	[smem:$0x3F9D] =	sst s1;
	(tag) =	ssettag s2;
	_ =	strace s9  }
0x27: {  	s1 =	sld [smem:$0x3FAD]  }
0x28: {  	s2 =	sld [smem:$0x3FAE]  }
0x29: {  	s4 =	sld [smem:$0x3FB0]  }
0x2a: {  	p0 =	seq.s32 s5, $0x0;
	s5 =	sld [smem:$0x3FB1]  }
0x2b: {  	s6 =	sld [smem:$0x3FB2]  }
0x2c: {  	s7 =	sld [smem:$0x3FB3]  }
0x2d: {  	s3 =	simm.s32 $0x108;
	s8 =	sld [smem:$0x3FB4]  }
0x2e: {  	s3 =	simm.s32 @!p0 $0x1082;
	s9 =	sld [smem:$0x3FB5]  }
0x2f: {  	lr =	sadd.s32 s0, s3;
	s0 =	sld [smem:$0x3FAC]  }
0x30: {  	s3 =	sld [smem:$0x3FAF]  }
0x31: {  	[smem:$0x3FB8] =	sst s10  }
0x32: {  	s10 =	sld [smem:$0x3FB6];
	_ =	sdelay $0x3  }
0x33: {  	p0 =	seq.s32 s10, $0x1;
	s10 =	sld [smem:$0x3FB8];
	_ =	sdelay $0x3  }
0x34: {  	[smem:$0x3FB8] =	sst s10  }
0x35: {  	s10 =	sld [smem:$0x3FB7];
	_ =	sdelay $0x3  }
0x36: {  	p1 =	seq.s32 s10, $0x1;
	s10 =	sld [smem:$0x3FB8];
	_ =	sdelay $0x3  }
0x37: {  	[smem:$0x3FB8] =	sst s10  }
0x38: {  	s10 =	sld [smem:$0x3FB9]  }
0x39: {  	_ = 	snop;
	(pc) =	sbr.ind lr, $3  }
0x3a: {  	_ = 	snop  }
0x3b: {  	_ = 	snop  }
0x3c: {  	p2 =	seq.s32 s10, $0x1;
	s10 =	sld [smem:$0x3FB8]  }
0x3d: {  	_ =	shalt  }
0x3e: {  	_ =	shalt  }
0x3f: {  	_ =	shalt  }
0x40: {  	_ =	shalt  }
0x41: {  	_ =	shalt  }
0x42: {  	_ =	shalt  }
0x43: {  	_ =	shalt  }
0x44: {  	_ =	shalt  }
0x45: {  	_ =	shalt  }
0x46: {  	_ =	shalt  }
0x47: {  	_ =	shalt  }
0x48: {  	_ =	shalt  }
0x49: {  	_ =	shalt  }
0x4a: {  	_ =	shalt  }
0x4b: {  	_ =	shalt  }
0x4c: {  	_ =	shalt  }
0x4d: {  	_ =	shalt  }
0x4e: {  	_ =	shalt  }
0x4f: {  	_ =	shalt  }
0x50: {  	_ =	shalt  }
0x51: {  	_ =	shalt  }
0x52: {  	_ =	shalt  }
0x53: {  	_ =	shalt  }
0x54: {  	_ =	shalt  }
0x55: {  	_ =	shalt  }
0x56: {  	_ =	shalt  }
0x57: {  	_ =	shalt  }
0x58: {  	_ =	shalt  }
0x59: {  	_ =	shalt  }
0x5a: {  	_ =	shalt  }
0x5b: {  	_ =	shalt  }
0x5c: {  	_ =	shalt  }
0x5d: {  	_ =	shalt  }
0x5e: {  	_ =	shalt  }
0x5f: {  	_ =	shalt  }
0x60: {  	_ =	shalt  }
0x61: {  	_ =	shalt  }
0x62: {  	_ =	shalt  }
0x63: {  	_ =	shalt  }
0x64: {  	_ =	shalt  }
0x65: {  	_ =	shalt  }
0x66: {  	_ =	shalt  }
0x67: {  	_ =	shalt  }
0x68: {  	_ =	shalt  }
0x69: {  	_ =	shalt  }
0x6a: {  	_ =	shalt  }
0x6b: {  	_ =	shalt  }
0x6c: {  	_ =	shalt  }
0x6d: {  	_ =	shalt  }
0x6e: {  	_ =	shalt  }
0x6f: {  	_ =	shalt  }
0x70: {  	_ =	shalt  }
0x71: {  	_ =	shalt  }
0x72: {  	_ =	shalt  }
0x73: {  	_ =	shalt  }
0x74: {  	_ =	shalt  }
0x75: {  	_ =	shalt  }
0x76: {  	_ =	shalt  }
0x77: {  	_ =	shalt  }
0x78: {  	_ =	shalt  }
0x79: {  	_ =	shalt  }
0x7a: {  	_ =	shalt  }
0x7b: {  	_ =	shalt  }
0x7c: {  	_ =	shalt  }
0x7d: {  	_ =	shalt  }
0x7e: {  	_ =	shalt  }
0x7f: {  	_ =	shalt  }
0x80: {  	_ =	shalt  }
0x81: {  	_ =	shalt  }
0x82: {  	_ =	shalt  }
0x83: {  	_ =	shalt  }
0x84: {  	_ =	shalt  }
0x85: {  	_ =	shalt  }
0x86: {  	_ =	shalt  }
0x87: {  	_ =	shalt  }
.Lfunc_end0:
.L_simem_size_0:
called_computation.1_lowered:
.L_overlay_start_0:
0x88: {  	s2 =	sld [smem:$0x3FD9]  }
0x89: {  	s3 =	sld [smem:$0x3FFE];
	_ =	sdelay $0x1  }
0x8a: {  	s1 =	srdreg.scid  }
0x8b: {  	s0 =	sand.u32 $0x1, s1  }
0x8c: {  	s17 =	sshll.u32 s0, $0xA;
	s2 =	sadd.s32 s3, s2  }
0x8d: {  	s2 =	sadd.s32 s2, s17  }
0x8e: {  	[smem:$0x3FC4] =	sst s2  }
0x8f: {  	_ = 	snop  }
0x90: {  	s2 =	sld [smem:$0x3FD0];
	(tm) =	ssettm $0x1  }
0x91: {  	s18 =	sld [smem:$0x3FFB];
	_ =	sdelay $0x3  }
0x92: {  	_ =	strace s18  }
0x93: {  	s3 =	sld [smem:$0x3FFC];
	_ =	sdelay $0x3  }
0x94: {  	_ =	strace s3  }
0x95: {  	s3 =	sld [smem:$0x3FFD];
	_ =	sdelay $0x3  }
0x96: {  	_ =	strace s3  }
0x97: {  	_ =	strace $0x8FFFFFFF  }
0x98: {  	s19 =	sld [smem:$0x3FDB];
	_ =	sdelay $0x1  }
0x99: {  	s4 =	simm.s32 $_scs_section_size  }
0x9a: {  	s5 =	simm.s32 $_size__tile_overlayer_lowered;
	s6 =	simm.s32 $_tile_overlayer_lowered  }
0x9b: {  	s22 =	simm.s32 $0x1BFF;
	s21 =	sshll.u32 s6, $0x1;
	s3 =	sadd.s32 s4, s19  }
0x9c: {  	s7 =	simm.s32 $0x0;
	s20 =	sshll.u32 s5, $0x1;
	s5 =	sadd.s32 s21, s3  }
0x9d: {  	[timem:s7], [sflag:s22] =	dma.local [hbm:s5], s20  }
0x9e: {  	_ =	swait.ge [sflag:s22], s20  }
0x9f: {  	s4 =	ssub.s32 $0x0, s20;
	[sflag:s22] =	ssyncset.done $0x0  }
0xa0: {  	[sflag:s22] =	ssyncadd.s32 s4;
	_ =	sdelay $0x1  }
0xa1: {  	s23 =	simm.s32 $0x1B8B  }
0xa2: {  	_ =	swait.ge [sflag:s23], $0x1  }
0xa3: {  	[sflag:s23] =	ssyncset.done $0x0  }
0xa4: {  	s25 =	simm.s32 $0x1B8E;
	s24 =	sld [smem:$0x3FFE];
	[sflag:s23] =	ssyncadd.s32 $0xFFFFFFFF  }
0xa5: {  	s26 =	simm.s32 $execute0_lowered;
	[smem:$0x3FD2] =	sst s25  }
0xa6: {  	s5 =	sshll.u32 s26, $0x1;
	_ =	strace $0x80000049;
	[dreg:$0x1] =	wrdreg $0xFFFFFFFF  }
0xa7: {  	s28 =	simm.s32 $_size_execute0_lowered;
	s3 =	sadd.s32 s3, s5;
	[dreg:$0x0] =	wrdreg $0x0  }
0xa8: {  	s5 =	sshll.u32 s28, $0x1;
	[dreg:$0x2] =	wrdreg s3  }
0xa9: {  	[dreg:$0x3] =	wrdreg s5  }
0xaa: {  	[dreg:$0x4] =	wrdreg $0xC0  }
0xab: {  	_ =	task [dreg:s7], $0x5FFFF  }
0xac: {  	[dreg:$0x1] =	wrdreg $0xFFFFFFFF  }
0xad: {  	[dreg:$0x0] =	wrdreg $0x60  }
0xae: {  	[dreg:$0x2] =	wrdreg s24  }
0xaf: {  	[dreg:$0x3] =	wrdreg s2  }
0xb0: {  	[dreg:$0x4] =	wrdreg $0x140000  }
0xb1: {  	[dreg:$0x5] =	wrdreg $0x9  }
0xb2: {  	_ =	task.clear_ibuf [dreg:s7], $0x6FFFF;
	_ =	strace $0x90000049  }
0xb3: {  	s29 =	simm.s32 $0x9;
	_ =	strace $0x8000004B  }
0xb4: {  	_ =	swait.ge [sflag:s29], $0x1  }
0xb5: {  	[sflag:s29] =	ssyncadd.s32 $0xFFFFFFFF  }
0xb6: {  	_ =	strace $0x9000004B  }
0xb7: {  	_ =	sfence  }
0xb8: {  	s30 =	sld [smem:$0x0];
	_ =	sdelay $0x2  }
0xb9: {  	s31 =	sshll.u32 s1, $0xD;
	s1 =	sshrl.u32 s1, $0x2  }
0xba: {  	s3 =	sand.u32 $0x4000, s31;
	s1 =	sadd.s32 s1, s30  }
0xbb: {  	s0 =	sor.u32 s3, s0;
	s1 =	sshll.u32 s1, $0x11  }
0xbc: {  	s0 =	sor.u32 s1, s0  }
0xbd: {  	s0 =	sadd.s32 $0x8F2B, s0  }
0xbe: {  	[sflag:s0] =	ssyncadd.remote.s32 $0x1  }
0xbf: {  	_ =	sfence.sel $0xFFFF  }
0xc0: {  	[dreg:$0x0] =	wrdreg $0xFFFFFFFF;
	(pc) =	sbr.abs _section_cstart, $3  }
0xc1: {  	[dreg:$0x1] =	wrdreg $0xFFFFFFFF  }
0xc2: {  	_ =	task.clear_ibuf [dreg:s7], $0x2FFFF;
	_ =	strace $0x9FFFFFFF  }
0xc3: {  	(tm) =	ssettm $0x7FFFFFFF  }
tec
execute0_lowered:
.L_overlay_start_1:
0x0: {  	(tag) =	ssettag $0x1  }
0x1: {  	s0 =	rddreg [dreg:$0x0]  }
0x2: {  	s1 =	rddreg [dreg:$0x1]  }
0x3: {  	s2 =	rddreg [dreg:$0x2];
	s6 =	stileid.u32  }
0x4: {  	s4 =	srdreg.scid;
	s3 =	simm.s32 $0x0;
	s28 =	simm.s32 $0xE000  }
0x5: {  	s29 =	simm.s32 $0x2;
	s30 =	simm.s32 $0x5;
	s10 =	smul.u32 $0xA00, s6  }
0x6: {  	s31 =	simm.s32 $0x6;
	s4 =	sand.u32 $0x1, s4;
	s13 =	smul.u32 $0xA000, s6  }
0x7: {  	[smem:$0x7FF] =	sst s3;
	s18 =	sadd.s32 $0xE00, s0;
	s11 =	smul.u32 $0xA0000, s4  }
0x8: {  	_ =	strace $0x8000004A;
	s4 =	ssub.s32 $0x2, s4;
	[dreg:$0x4] =	wrdreg s18  }
0x9: {  	s12 =	sadd.s32 s10, s0;
	s19 =	sshrl.u32 s4, $0x1;
	s15 =	sadd.s32 $0x2000, s13  }
0xa: {  	s16 =	sadd.s32 $0x4000, s13;
	s17 =	sadd.s32 $0x6000, s13;
	s18 =	sadd.s32 $0x8000, s13  }
0xb: {  	s1 =	sadd.s32 s1, s10;
	s5 =	sshrl.u32 s11, $0x3;
	s4 =	ssub.s32 s4, s19  }
0xc: {  	s6 =	sadd.s32 s15, s2;
	s7 =	sadd.s32 s16, s2;
	s8 =	sadd.s32 s17, s2  }
0xd: {  	s9 =	sadd.s32 s18, s2;
	s12 =	sadd.s32 $0xB600, s12;
	[dreg:$0x6] =	wrdreg s1  }
0xe: {  	s20 =	sadd.s32 s13, s11;
	s21 =	sadd.s32 s11, s15;
	s23 =	sadd.s32 s11, s16  }
0xf: {  	s24 =	sadd.s32 s11, s17;
	s11 =	sadd.s32 s11, s18;
	s19 =	simm.s32 $0x12000  }
0x10: {  	s14 =	sadd.s32 s5, s0;
	s0 =	sadd.s32 $0x8D600, s0;
	s5 =	sadd.s32 s13, s2  }
0x11: {  	[dreg:$0x5] =	wrdreg s12;
	s1 =	sshrl.u32 s20, $0x3;
	s10 =	sshrl.u32 s21, $0x3  }
0x12: {  	s25 =	sshrl.u32 s24, $0x3;
	s26 =	sshrl.u32 s11, $0x3;
	s18 =	smax.u32 s4, $0x1  }
0x13: {  	s20 =	simm.s32 $0x9;
	s21 =	simm.s32 $0x5000;
	s24 =	simm.s32 $0xC000  }
0x14: {  	s4 =	simm.s32 $0x7;
	s11 =	simm.s32 $0x0;
	s12 =	sadd.s32 $0x65600, s14  }
0x15: {  	s1 =	sadd.s32 s0, s1;
	s22 =	sadd.s32 s0, s10;
	s17 =	sadd.s32 s0, s26  }
.Ltmp0:
0x16: {  	s26 =	simm.s32 $0x4;
	[dreg:$0x7] =	wrdreg s1;
	(pc) =	sbr.rel .LBB2_1-.Ltmp0, $4  }
0x17: {  	s10 =	simm.s32 $0x8;
	[dreg:$0x8] =	wrdreg s22;
	s1 =	sshrl.u32 s23, $0x3  }
0x18: {  	s22 =	simm.s32 $0x80;
	s23 =	simm.s32 $0xA000;
	s1 =	sadd.s32 s0, s1  }
0x19: {  	[dreg:$0x9] =	wrdreg s1;
	s1 =	sadd.s32 s0, s25;
	s25 =	simm.s32 $0x1  }
0x1a: {  	s0 =	simm.s32 $0x10000;
	[dreg:$0xa] =	wrdreg s1;
	s1 =	simm.s32 $0x3  }
.LBB2_4:
0x1b: {  	_ =	swait.ge [sflag:s26], $0x2000  }
0x1c: {  	[sflag:s26] =	ssyncset.done $0x0  }
0x1d: {  	[sflag:s26] =	ssyncadd.s32 $0xFFFFE000  }
0x1e: {  	[spmem:s2] =	stream.indirect.scatter.add.f32 [tilespmem:s0], [sflag:$0x8], $0x40, s15, s22, $0xb8;
	[tilespmem:$0x1E000] =	vst v63  }
0x1f: {  	_ =	swait.ge [sflag:s31], $0x2000  }
0x20: {  	[sflag:s31] =	ssyncset.done $0x0  }
0x21: {  	[sflag:s31] =	ssyncadd.s32 $0xFFFFE000  }
0x22: {  	_ =	swait.ge [sflag:s4], $0x2000  }
0x23: {  	[sflag:s4] =	ssyncset.done $0x0  }
0x24: {  	[sflag:s4] =	ssyncadd.s32 $0xFFFFE000  }
0x25: {  	_ =	swait.ge [sflag:s10], $0x2000  }
0x26: {  	[sflag:s10] =	ssyncset.done $0x0  }
0x27: {  	[sflag:s10] =	ssyncadd.s32 $0xFFFFE000  }
0x28: {  	[bflag:$0x0] =	sbarrier.arrive $0xFFFF  }
0x29: {  	[tilespmem:s19], [sflag:$0x9] =	stream.linear.gather [spmem:s5], $0x2000, $0x38;
	[tilespmem:$0x1E000] =	vst v63  }
0x2a: {  	_ =	swait.ge [sflag:s20], $0x2000  }
0x2b: {  	[sflag:s20] =	ssyncset.done $0x0  }
0x2c: {  	s13 =	rddreg [dreg:$0x7];
	[sflag:s20] =	ssyncadd.s32 $0xFFFFE000  }
0x2d: {  	[hbm4b:s13+s3] =	stream.linear.scatter [tilespmem:s19], [sflag:$0x9], $0x2000, $0x38;
	[tilespmem:$0x1E000] =	vst v63  }
0x2e: {  	_ =	swait.ge [sflag:s20], $0x2000  }
0x2f: {  	[sflag:s20] =	ssyncset.done $0x0  }
0x30: {  	[sflag:s20] =	ssyncadd.s32 $0xFFFFE000  }
0x31: {  	[tilespmem:s19], [sflag:$0x9] =	stream.linear.gather [spmem:s6], $0x2000, $0x38;
	[tilespmem:$0x1E000] =	vst v63  }
0x32: {  	_ =	swait.ge [sflag:s20], $0x2000  }
0x33: {  	[sflag:s20] =	ssyncset.done $0x0  }
0x34: {  	s14 =	rddreg [dreg:$0x8];
	[sflag:s20] =	ssyncadd.s32 $0xFFFFE000  }
0x35: {  	[hbm4b:s14+s3] =	stream.linear.scatter [tilespmem:s19], [sflag:$0x9], $0x2000, $0x38;
	[tilespmem:$0x1E000] =	vst v63  }
0x36: {  	_ =	swait.ge [sflag:s20], $0x2000  }
0x37: {  	[sflag:s20] =	ssyncset.done $0x0  }
0x38: {  	[sflag:s20] =	ssyncadd.s32 $0xFFFFE000  }
0x39: {  	[tilespmem:s19], [sflag:$0x9] =	stream.linear.gather [spmem:s7], $0x2000, $0x38;
	[tilespmem:$0x1E000] =	vst v63  }
0x3a: {  	_ =	swait.ge [sflag:s20], $0x2000  }
0x3b: {  	[sflag:s20] =	ssyncset.done $0x0  }
0x3c: {  	s15 =	rddreg [dreg:$0x9];
	[sflag:s20] =	ssyncadd.s32 $0xFFFFE000  }
0x3d: {  	[hbm4b:s15+s3] =	stream.linear.scatter [tilespmem:s19], [sflag:$0x9], $0x2000, $0x38;
	[tilespmem:$0x1E000] =	vst v63  }
0x3e: {  	_ =	swait.ge [sflag:s20], $0x2000  }
0x3f: {  	[sflag:s20] =	ssyncset.done $0x0  }
0x40: {  	[sflag:s20] =	ssyncadd.s32 $0xFFFFE000  }
0x41: {  	[tilespmem:s19], [sflag:$0x9] =	stream.linear.gather [spmem:s8], $0x2000, $0x38;
	[tilespmem:$0x1E000] =	vst v63  }
0x42: {  	_ =	swait.ge [sflag:s20], $0x2000  }
0x43: {  	[sflag:s20] =	ssyncset.done $0x0  }
0x44: {  	s16 =	rddreg [dreg:$0xa];
	[sflag:s20] =	ssyncadd.s32 $0xFFFFE000  }
0x45: {  	[hbm4b:s16+s3] =	stream.linear.scatter [tilespmem:s19], [sflag:$0x9], $0x2000, $0x38;
	[tilespmem:$0x1E000] =	vst v63  }
0x46: {  	_ =	swait.ge [sflag:s20], $0x2000  }
0x47: {  	[sflag:s20] =	ssyncset.done $0x0  }
0x48: {  	[sflag:s20] =	ssyncadd.s32 $0xFFFFE000  }
0x49: {  	[tilespmem:s19], [sflag:$0x9] =	stream.linear.gather [spmem:s9], $0x2000, $0x38;
	[tilespmem:$0x1E000] =	vst v63  }
0x4a: {  	s11 =	sadd.s32 $0x1, s11;
	_ =	swait.ge [sflag:s20], $0x2000  }
0x4b: {  	p0 =	sne.s32 s11, s18;
	[sflag:s20] =	ssyncset.done $0x0  }
.Ltmp1:
0x4c: {  	[sflag:s20] =	ssyncadd.s32 $0xFFFFE000;
	(pc) =	sbr.rel @!p0 .LBB2_5-.Ltmp1, $4  }
0x4d: {  	[hbm4b:s17+s3] =	stream.linear.scatter [tilespmem:s19], [sflag:$0x9], $0x2000, $0x38;
	[tilespmem:$0x1E000] =	vst v63  }
0x4e: {  	_ =	swait.ge [sflag:s20], $0x2000  }
0x4f: {  	[sflag:s20] =	ssyncset.done $0x0  }
0x50: {  	[sflag:s20] =	ssyncadd.s32 $0xFFFFE000  }
.LBB2_1:
0x51: {  	s13 =	rddreg [dreg:$0x4]  }
0x52: {  	[tilespmem:s19], [sflag:$0x9] =	stream.linear.gather [hbm4b:s13+s3], $0x2000, $0x38;
	[tilespmem:$0x1E000] =	vst v63  }
0x53: {  	_ =	swait.ge [sflag:s20], $0x2000  }
0x54: {  	[sflag:s20] =	ssyncset.done $0x0  }
0x55: {  	[sflag:s20] =	ssyncadd.s32 $0xFFFFE000  }
0x56: {  	[spmem:s5] =	stream.linear.scatter [tilespmem:s19], [sflag:$0x9], $0x2000, $0x38;
	[tilespmem:$0x1E000] =	vst v63  }
0x57: {  	_ =	swait.ge [sflag:s20], $0x2000  }
0x58: {  	[sflag:s20] =	ssyncset.done $0x0  }
0x59: {  	[sflag:s20] =	ssyncadd.s32 $0xFFFFE000  }
0x5a: {  	[spmem:s6] =	stream.linear.scatter [tilespmem:s19], [sflag:$0x9], $0x2000, $0x38;
	[tilespmem:$0x1E000] =	vst v63  }
0x5b: {  	_ =	swait.ge [sflag:s20], $0x2000  }
0x5c: {  	[sflag:s20] =	ssyncset.done $0x0  }
0x5d: {  	[sflag:s20] =	ssyncadd.s32 $0xFFFFE000  }
0x5e: {  	[spmem:s7] =	stream.linear.scatter [tilespmem:s19], [sflag:$0x9], $0x2000, $0x38;
	[tilespmem:$0x1E000] =	vst v63  }
0x5f: {  	_ =	swait.ge [sflag:s20], $0x2000  }
0x60: {  	[sflag:s20] =	ssyncset.done $0x0  }
0x61: {  	[sflag:s20] =	ssyncadd.s32 $0xFFFFE000  }
0x62: {  	[spmem:s8] =	stream.linear.scatter [tilespmem:s19], [sflag:$0x9], $0x2000, $0x38;
	[tilespmem:$0x1E000] =	vst v63  }
0x63: {  	_ =	swait.ge [sflag:s20], $0x2000  }
0x64: {  	[sflag:s20] =	ssyncset.done $0x0  }
0x65: {  	[sflag:s20] =	ssyncadd.s32 $0xFFFFE000  }
0x66: {  	[spmem:s9] =	stream.linear.scatter [tilespmem:s19], [sflag:$0x9], $0x2000, $0x38;
	[tilespmem:$0x1E000] =	vst v63  }
0x67: {  	_ =	swait.ge [sflag:s20], $0x2000  }
0x68: {  	[sflag:s20] =	ssyncset.done $0x0  }
0x69: {  	s14 =	rddreg [dreg:$0x5];
	[sflag:s20] =	ssyncadd.s32 $0xFFFFE000  }
0x6a: {  	[tilespmem:s3], [sflag:$0x9] =	stream.linear.gather [hbm4b:s14+s3], $0x5000, $0x38;
	[tilespmem:$0x1E000] =	vst v63  }
0x6b: {  	_ =	swait.ge [sflag:s20], $0x5000  }
0x6c: {  	[sflag:s20] =	ssyncset.done $0x0  }
0x6d: {  	s15 =	rddreg [dreg:$0x6];
	[sflag:s20] =	ssyncadd.s32 $0xFFFFB000  }
0x6e: {  	[tilespmem:s21], [sflag:$0x9] =	stream.linear.gather [hbm4b:s15+s3], $0x5000, $0x38;
	[tilespmem:$0x1E000] =	vst v63  }
0x6f: {  	_ =	swait.ge [sflag:s20], $0x5000  }
0x70: {  	[sflag:s20] =	ssyncset.done $0x0  }
0x71: {  	[sflag:s20] =	ssyncadd.s32 $0xFFFFB000  }
0x72: {  	[bflag:$0x0] =	sbarrier.arrive $0xFFFF  }
0x73: {  	[tilespmem:s23], [sflag:$0x1] =	stream.indirect.gather [hbm4b:s12+s22], $0x40, s3, s22, $0xb8;
	[tilespmem:$0x1E000] =	vst v63  }
0x74: {  	_ = 	snop  }
0x75: {  	[tilespmem:s24], [sflag:$0x2] =	stream.indirect.gather [hbm4b:s12+s22], $0x40, s22, s22, $0xb8;
	[tilespmem:$0x1E000] =	vst v63  }
0x76: {  	_ =	swait.ge [sflag:s25], $0x2000  }
0x77: {  	[sflag:s25] =	ssyncset.done $0x0  }
0x78: {  	[sflag:s25] =	ssyncadd.s32 $0xFFFFE000  }
0x79: {  	[spmem:s2] =	stream.indirect.scatter.add.f32 [tilespmem:s23], [sflag:$0x5], $0x40, s21, s22, $0xb8;
	[tilespmem:$0x1E000] =	vst v63  }
0x7a: {  	s16 =	simm.s32 $0x100  }
0x7b: {  	[tilespmem:s28], [sflag:$0x3] =	stream.indirect.gather [hbm4b:s12+s22], $0x40, s16, s22, $0xb8;
	[tilespmem:$0x1E000] =	vst v63  }
0x7c: {  	_ =	swait.ge [sflag:s29], $0x2000  }
0x7d: {  	[sflag:s29] =	ssyncset.done $0x0  }
0x7e: {  	s14 =	simm.s32 $0x5080;
	[sflag:s29] =	ssyncadd.s32 $0xFFFFE000  }
0x7f: {  	[spmem:s2] =	stream.indirect.scatter.add.f32 [tilespmem:s24], [sflag:$0x6], $0x40, s14, s22, $0xb8;
	[tilespmem:$0x1E000] =	vst v63  }
0x80: {  	s15 =	simm.s32 $0x180  }
0x81: {  	[tilespmem:s0], [sflag:$0x4] =	stream.indirect.gather [hbm4b:s12+s22], $0x40, s15, s22, $0xb8;
	[tilespmem:$0x1E000] =	vst v63  }
0x82: {  	_ =	swait.ge [sflag:s1], $0x2000  }
0x83: {  	[sflag:s1] =	ssyncset.done $0x0  }
0x84: {  	s16 =	simm.s32 $0x5100;
	[sflag:s1] =	ssyncadd.s32 $0xFFFFE000  }
0x85: {  	[spmem:s2] =	stream.indirect.scatter.add.f32 [tilespmem:s28], [sflag:$0x7], $0x40, s16, s22, $0xb8;
	[tilespmem:$0x1E000] =	vst v63  }
0x86: {  	_ =	swait.ge [sflag:s30], $0x2000  }
0x87: {  	[sflag:s30] =	ssyncset.done $0x0  }
0x88: {  	s14 =	simm.s32 $0x200;
	[sflag:s30] =	ssyncadd.s32 $0xFFFFE000  }
0x89: {  	[tilespmem:s23], [sflag:$0x1] =	stream.indirect.gather [hbm4b:s12+s22], $0x40, s14, s22, $0xb8;
	[tilespmem:$0x1E000] =	vst v63  }
0x8a: {  	_ =	swait.ge [sflag:s26], $0x2000  }
0x8b: {  	[sflag:s26] =	ssyncset.done $0x0  }
0x8c: {  	s15 =	simm.s32 $0x5180;
	[sflag:s26] =	ssyncadd.s32 $0xFFFFE000  }
0x8d: {  	[spmem:s2] =	stream.indirect.scatter.add.f32 [tilespmem:s0], [sflag:$0x8], $0x40, s15, s22, $0xb8;
	[tilespmem:$0x1E000] =	vst v63  }
0x8e: {  	_ =	swait.ge [sflag:s31], $0x2000  }
0x8f: {  	[sflag:s31] =	ssyncset.done $0x0  }
0x90: {  	s13 =	simm.s32 $0x0;
	s16 =	simm.s32 $0x280;
	[sflag:s31] =	ssyncadd.s32 $0xFFFFE000  }
0x91: {  	[tilespmem:s24], [sflag:$0x2] =	stream.indirect.gather [hbm4b:s12+s22], $0x40, s16, s22, $0xb8;
	[tilespmem:$0x1E000] =	vst v63  }
.LBB2_2:
0x92: {  	_ =	swait.ge [sflag:s25], $0x2000  }
0x93: {  	s14 =	sshra.s32 s13, $0x2;
	[sflag:s25] =	ssyncset.done $0x0  }
0x94: {  	s15 =	sadd.s32 $0x5200, s14;
	[sflag:s25] =	ssyncadd.s32 $0xFFFFE000  }
0x95: {  	[spmem:s2] =	stream.indirect.scatter.add.f32 [tilespmem:s23], [sflag:$0x5], $0x40, s15, s22, $0xb8;
	[tilespmem:$0x1E000] =	vst v63  }
0x96: {  	_ =	swait.ge [sflag:s4], $0x2000  }
0x97: {  	[sflag:s4] =	ssyncset.done $0x0  }
0x98: {  	s16 =	sadd.s32 $0x300, s14;
	[sflag:s4] =	ssyncadd.s32 $0xFFFFE000  }
0x99: {  	[tilespmem:s28], [sflag:$0x3] =	stream.indirect.gather [hbm4b:s12+s22], $0x40, s16, s22, $0xb8;
	[tilespmem:$0x1E000] =	vst v63  }
0x9a: {  	_ =	swait.ge [sflag:s29], $0x2000  }
0x9b: {  	[sflag:s29] =	ssyncset.done $0x0  }
0x9c: {  	s16 =	sadd.s32 $0x5280, s14;
	[sflag:s29] =	ssyncadd.s32 $0xFFFFE000  }
0x9d: {  	[spmem:s2] =	stream.indirect.scatter.add.f32 [tilespmem:s24], [sflag:$0x6], $0x40, s16, s22, $0xb8;
	[tilespmem:$0x1E000] =	vst v63  }
0x9e: {  	_ =	swait.ge [sflag:s10], $0x2000  }
0x9f: {  	[sflag:s10] =	ssyncset.done $0x0  }
0xa0: {  	s16 =	sadd.s32 $0x380, s14;
	[sflag:s10] =	ssyncadd.s32 $0xFFFFE000  }
0xa1: {  	[tilespmem:s0], [sflag:$0x4] =	stream.indirect.gather [hbm4b:s12+s22], $0x40, s16, s22, $0xb8;
	[tilespmem:$0x1E000] =	vst v63  }
0xa2: {  	_ =	swait.ge [sflag:s1], $0x2000  }
0xa3: {  	p0 =	seq.s32 s13, $0x13000;
	[sflag:s1] =	ssyncset.done $0x0  }
.Ltmp2:
0xa4: {  	s16 =	sadd.s32 $0x5300, s14;
	[sflag:s1] =	ssyncadd.s32 $0xFFFFE000;
	(pc) =	sbr.rel @p0 .LBB2_4-.Ltmp2, $4  }
0xa5: {  	[spmem:s2] =	stream.indirect.scatter.add.f32 [tilespmem:s28], [sflag:$0x7], $0x40, s16, s22, $0xb8;
	[tilespmem:$0x1E000] =	vst v63  }
0xa6: {  	_ =	swait.ge [sflag:s30], $0x2000  }
0xa7: {  	[sflag:s30] =	ssyncset.done $0x0  }
0xa8: {  	s15 =	sadd.s32 $0x5380, s14;
	[sflag:s30] =	ssyncadd.s32 $0xFFFFE000  }
0xa9: {  	s16 =	sadd.s32 $0x400, s14  }
0xaa: {  	[tilespmem:s23], [sflag:$0x1] =	stream.indirect.gather [hbm4b:s12+s22], $0x40, s16, s22, $0xb8;
	[tilespmem:$0x1E000] =	vst v63  }
0xab: {  	_ =	swait.ge [sflag:s26], $0x2000  }
0xac: {  	[sflag:s26] =	ssyncset.done $0x0  }
0xad: {  	[sflag:s26] =	ssyncadd.s32 $0xFFFFE000  }
0xae: {  	[spmem:s2] =	stream.indirect.scatter.add.f32 [tilespmem:s0], [sflag:$0x8], $0x40, s15, s22, $0xb8;
	[tilespmem:$0x1E000] =	vst v63  }
.Ltmp3:
0xaf: {  	_ = 	snop;
	(pc) =	sbr.rel .LBB2_2-.Ltmp3, $4  }
0xb0: {  	_ =	swait.ge [sflag:s31], $0x2000  }
0xb1: {  	[sflag:s31] =	ssyncset.done $0x0  }
0xb2: {  	s13 =	sadd.s32 $0x800, s13;
	s16 =	sadd.s32 $0x480, s14;
	[sflag:s31] =	ssyncadd.s32 $0xFFFFE000  }
0xb3: {  	[tilespmem:s24], [sflag:$0x2] =	stream.indirect.gather [hbm4b:s12+s22], $0x40, s16, s22, $0xb8;
	[tilespmem:$0x1E000] =	vst v63  }
.LBB2_5:
0xb4: {  	_ =	sfence.sel $0x180000  }
0xb5: {  	[bflag:$0x0] =	sbarrier.arrive $0xFFFF  }
0xb6: {  	_ =	strace $0x9000004A  }
0xb7: {  	s0 =	stileid.u32;
	[bflag:$0x2] =	sbarrier.arrive $0xFFFF  }
0xb8: {  	p0 =	sne.s32 s0, $0x0;
	s0 =	rddreg [dreg:$0x3]  }
0xb9: {  	s0 =	sadd.s32 @!p0 $0x100000, s0  }
0xba: {  	[sflag:s0] =	ssyncadd.tile.s32 @!p0 $0x1;
	_ =	shalt  }
.Lfunc_end2:
_tile_overlayer_lowered:
.L_overlay_start_2:
0xbb: {  	(tag) =	ssettag $0x2  }
0xbc: {  	s0 =	rddreg [dreg:$0x0];
	s2 =	stileid.u32  }
0xbd: {  	s1 =	rddreg [dreg:$0x1];
	p0 =	sne.s32 s2, $0x0  }
0xbe: {  	s3 =	rddreg [dreg:$0x2];
	[bflag:$0x3] =	sbarrier.arrive $0xFFFF;
	s2 =	simm.s32 @!p0 $0x1C09  }
0xbf: {  	[timem:s3], [sflag:s2] =	dma.local @!p0 [hbm:s0], s1  }
0xc0: {  	s0 =	simm.s32 @!p0 $0x9  }
0xc1: {  	_ =	swait.ge @!p0 [sflag:s0], s1  }
0xc2: {  	s1 =	ssub.s32 @!p0 $0x0, s1;
	[sflag:s0] =	ssyncset.done @!p0 $0x0  }
0xc3: {  	[sflag:s0] =	ssyncadd.s32 @!p0 s1  }
0xc4: {  	[bflag:$0x3] =	sbarrier.arrive $0xFFFF  }
0xc5: {  	_ =	shalt  }

</sc_bundles>
